<compile_context>
chip_gen: v7x
topology: tpu7x:2x2x1
jax: 0.10.2.dev20260603
libtpu: 0.0.44.dev20260713+nightly
codegen_flags: <defaults>
</compile_context>

<pallas_src>
import jax
import jax.numpy as jnp
from jax import lax
from jax.experimental import pallas as pl
from jax.experimental.pallas import tpu as pltpu
from jax.experimental.pallas import tpu_sc as plsc
import functools

N = 4096
L = 64
STEP_DIM = 2048
COMB_DIM = 1024
BK = 1024
NK = 2 * STEP_DIM // BK
NSTEP = NK // 2
JH = STEP_DIM // BK
VL = 16
NSL = N // VL
LSL = L // VL


def _sc_sample(adj_hbm, feats_hbm, labels_hbm, att_hbm, node1_hbm,
               node_hbm, u_hbm, scores_hbm,
               label_out, newnode_out, attsc_out,
               idx1, rowv, featv, labv, scov, attv, nodev, uv,
               scrf, scri, oi1, oi2, of1, sem):
    cid = lax.axis_index("c")
    sid = lax.axis_index("s")

    @pl.when((cid == 0) & (sid == 0))
    def _():
        iota = lax.iota(jnp.int32, VL)

        def rsum_f(x):
            for sh in (8, 4, 2, 1):
                scrf[...] = x
                x = x + plsc.load_gather(scrf, [jnp.bitwise_xor(iota, sh)])
            return x

        def rsum_i(x):
            for sh in (8, 4, 2, 1):
                scri[...] = x
                x = x + plsc.load_gather(scri, [jnp.bitwise_xor(iota, sh)])
            return x

        def rmax_f(x):
            for sh in (8, 4, 2, 1):
                scrf[...] = x
                x = jnp.maximum(x, plsc.load_gather(
                    scrf, [jnp.bitwise_xor(iota, sh)]))
            return x

        def rmin_f(x):
            for sh in (8, 4, 2, 1):
                scrf[...] = x
                x = jnp.minimum(x, plsc.load_gather(
                    scrf, [jnp.bitwise_xor(iota, sh)]))
            return x

        def prefix_f(x):
            for sh in (1, 2, 4, 8):
                scrf[...] = x
                y = plsc.load_gather(scrf, [jnp.maximum(iota - sh, 0)])
                x = x + jnp.where(iota >= sh, y, 0.0)
            return x

        def lane_last(x):
            scrf[...] = x
            return plsc.load_gather(scrf, [jnp.full((VL,), VL - 1, jnp.int32)])

        pltpu.sync_copy(node1_hbm, idx1)
        pltpu.sync_copy(node_hbm, nodev)
        pltpu.sync_copy(u_hbm, uv)
        node_s = nodev[...][0]
        pltpu.sync_copy(adj_hbm.at[pl.ds(node_s, 1), :], rowv)
        pltpu.sync_copy(feats_hbm, featv)
        pltpu.sync_copy(labels_hbm, labv)
        pltpu.sync_copy(scores_hbm, scov)
        pltpu.sync_copy(att_hbm, attv)
        uvec = uv[...]

        def nf_body(j, acc):
            sl = pl.ds(j * VL, VL)
            return acc + rowv[0, sl] * featv[sl]
        nfv = rsum_f(lax.fori_loop(0, NSL, nf_body,
                                   jnp.zeros((VL,), jnp.float32),
                                   unroll=8))

        sacc = jnp.zeros((VL,), jnp.float32)
        for j in range(LSL):
            sacc = sacc + attv[pl.ds(j * VL, VL)] * nfv
        sv = rsum_f(sacc)
        carry = jnp.zeros((VL,), jnp.float32)
        cums = []
        for j in range(LSL):
            norm = attv[pl.ds(j * VL, VL)] * nfv / sv
            cum = prefix_f(norm) + carry
            cums.append(cum)
            carry = lane_last(cum)
        rv = carry * (1.0 - uvec)
        cnt = jnp.zeros((VL,), jnp.int32)
        for j in range(LSL):
            cnt = cnt + (cums[j] < rv).astype(jnp.int32)
        labelv = rsum_i(cnt)

        asc = jnp.zeros((VL,), jnp.float32)
        for j in range(LSL):
            hit = (iota + j * VL) == labelv
            asc = asc + jnp.where(hit, attv[pl.ds(j * VL, VL)], 0.0)
        ascv = rsum_f(asc)

        def cand_body(j, c):
            best, bidx, ccnt = c
            sl = pl.ds(j * VL, VL)
            cand = (rowv[0, sl] > 0.0) & (labv[sl] == labelv)
            sc = jnp.where(cand, scov[sl], -jnp.inf)
            upd = sc > best
            best = jnp.where(upd, sc, best)
            bidx = jnp.where(upd, (iota + j * VL).astype(jnp.float32), bidx)
            return best, bidx, ccnt + cand.astype(jnp.int32)
        best, bidx, ccnt = lax.fori_loop(
            0, NSL, cand_body,
            (jnp.full((VL,), -jnp.inf, jnp.float32),
             jnp.zeros((VL,), jnp.float32),
             jnp.zeros((VL,), jnp.int32)), unroll=8)
        mv = rmax_f(best)
        firstv = rmin_f(jnp.where(best == mv, bidx, jnp.float32(N)))
        ncandv = rsum_i(ccnt)
        newnodev = jnp.where(ncandv > 0, firstv.astype(jnp.int32),
                             nodev[...])

        oi1[...] = labelv
        oi2[...] = newnodev
        of1[...] = ascv
        pltpu.sync_copy(oi1, label_out)
        pltpu.sync_copy(oi2, newnode_out)
        pltpu.sync_copy(of1, attsc_out)


def _tc_state(lab_sref, att_ref, t1_ref, t2_ref, t3a_ref, t3b_ref,
              state_ref, comb_ref):
    k = pl.program_id(0)

    @pl.when(k == 0)
    def _build_comb():
        att_row = att_ref[0:1, :]
        for j in range(JH):
            comb_ref[j:j + 1, :] = jnp.dot(
                att_row, t1_ref[:, j * BK:(j + 1) * BK],
                preferred_element_type=jnp.float32)
        sub = lab_sref[0] % 8
        for j in range(JH):
            comb_ref[JH + j:JH + j + 1, :] = t2_ref[pl.ds(sub, 1),
                                                    j * BK:(j + 1) * BK]

    part = jnp.dot(comb_ref[pl.ds(k, 1), :], t3a_ref[...],
                   preferred_element_type=jnp.float32)
    part += jnp.dot(comb_ref[pl.ds(k + NSTEP, 1), :], t3b_ref[...],
                    preferred_element_type=jnp.float32)

    @pl.when(k == 0)
    def _init():
        state_ref[...] = part

    @pl.when(k > 0)
    def _acc():
        state_ref[...] += part


def kernel(adj, features, node_labels, node, attention,
           theta_step_1, theta_step_2, theta_step_3):
    key = jax.random.key(42)
    k1, k2 = jax.random.split(key)
    u1 = jax.random.uniform(k1, ())
    scores = jax.random.uniform(k2, (N,))

    node_i = jnp.asarray(node, jnp.int32)
    node1 = node_i.reshape((1,))
    node16 = jnp.full((VL,), node_i)
    u16 = jnp.full((VL,), u1, jnp.float32)
    labels_i = node_labels.astype(jnp.int32)

    mesh = plsc.VectorSubcoreMesh(core_axis_name="c", subcore_axis_name="s")
    sc = functools.partial(
        pl.kernel, mesh=mesh,
        compiler_params=pltpu.CompilerParams(use_tc_tiling_on_sc=True, needs_layout_passes=False),
        out_type=[
            jax.ShapeDtypeStruct((VL,), jnp.int32),
            jax.ShapeDtypeStruct((VL,), jnp.int32),
            jax.ShapeDtypeStruct((VL,), jnp.float32),
        ],
        scratch_types=[
            pltpu.VMEM((1,), jnp.int32),
            pltpu.VMEM((1, N), jnp.float32),
            pltpu.VMEM((N,), jnp.float32),
            pltpu.VMEM((N,), jnp.int32),
            pltpu.VMEM((N,), jnp.float32),
            pltpu.VMEM((L,), jnp.float32),
            pltpu.VMEM((VL,), jnp.int32),
            pltpu.VMEM((VL,), jnp.float32),
            pltpu.VMEM((VL,), jnp.float32),
            pltpu.VMEM((VL,), jnp.int32),
            pltpu.VMEM((VL,), jnp.int32),
            pltpu.VMEM((VL,), jnp.int32),
            pltpu.VMEM((VL,), jnp.float32),
            pltpu.SemaphoreType.DMA,
        ],
    )(_sc_sample)
    label16, newnode16, attsc16 = sc(
        adj, features, labels_i, attention, node1, node16, u16, scores)

    lab_arr = label16[0:1]

    grid_spec = pltpu.PrefetchScalarGridSpec(
        num_scalar_prefetch=1,
        grid=(NSTEP,),
        in_specs=[
            pl.BlockSpec((1, L), lambda k, n: (0, 0)),
            pl.BlockSpec((L, STEP_DIM), lambda k, n: (0, 0)),
            pl.BlockSpec((8, STEP_DIM), lambda k, n: (n[0] // 8, 0)),
            pl.BlockSpec((BK, COMB_DIM), lambda k, n: (k, 0)),
            pl.BlockSpec((BK, COMB_DIM), lambda k, n: (k + NSTEP, 0)),
        ],
        out_specs=pl.BlockSpec((1, COMB_DIM), lambda k, n: (0, 0)),
        scratch_shapes=[pltpu.VMEM((NK, BK), jnp.float32)],
    )
    state = pl.pallas_call(
        _tc_state,
        grid_spec=grid_spec,
        out_shape=jax.ShapeDtypeStruct((1, COMB_DIM), jnp.float32),
    )(lab_arr, attention.reshape(1, L), theta_step_1, theta_step_2,
      theta_step_3, theta_step_3)

    return (state.reshape(1, 1, COMB_DIM),
            newnode16[0].reshape(()),
            attsc16[0].reshape(()))

# --- scband reference (transcript-rebuilt; emitter-appended) ---
"""Pipeline reference for scband-step-network-layer-39419209843163 (READ-ONLY COPY).

The authoritative reference and input builder live on the scoring server;
editing this copy changes nothing except your own understanding.
"""

import jax, jax.numpy as jnp
import numpy as np

N = 4096
L = 64
STEP_DIM = 2048
COMB_DIM = 1024


def setup_inputs(seed: int = 0) -> dict:
    key = jax.random.key(seed)
    k1, k2, k3, k4, k5, k6 = jax.random.split(key, 6)
    adj = (jax.random.uniform(k1, (N, N)) < 0.01).astype(jnp.float32)
    features = jax.random.uniform(k2, (N,))
    node_labels = jax.random.randint(k3, (N,), 0, L)
    attention = jnp.ones((L,), dtype=jnp.float32) / L
    theta_step_1 = jax.random.uniform(k4, (L, STEP_DIM), minval=-1.0, maxval=1.0)
    theta_step_2 = jax.random.uniform(k5, (L, STEP_DIM), minval=-1.0, maxval=1.0)
    theta_step_3 = jax.random.uniform(k6, (2 * STEP_DIM, COMB_DIM), minval=-1.0, maxval=1.0)
    return {
        "adj": adj,
        "features": features,
        "node_labels": node_labels,
        "node": 0,
        "attention": attention,
        "theta_step_1": theta_step_1,
        "theta_step_2": theta_step_2,
        "theta_step_3": theta_step_3,
    }


def reference(adj, features, node_labels, node, attention, theta_step_1, theta_step_2, theta_step_3):
    num_labels = attention.shape[0]
    key = jax.random.key(42)
    k1, k2 = jax.random.split(key)
    # features unsqueezed to [N, 1]
    feats = features.reshape(-1, 1)
    # sample_node_label
    neighbor_vector = adj[node, :]
    neighbor_features = neighbor_vector.reshape(1, -1) @ feats  # [1, 1]
    attention_spread = attention * neighbor_features            # [1, L]
    normalized = attention_spread / attention_spread.sum()
    normalized = jax.lax.stop_gradient(normalized).reshape(-1)  # detach, like .detach().numpy()
    label = jax.random.choice(k1, num_labels, p=normalized)
    # make_step: pick a random neighbor whose label matches the sampled label
    neighbor_mask = neighbor_vector > 0
    cand_mask = neighbor_mask & (node_labels == label)
    n_cand = cand_mask.sum()
    scores = jax.random.uniform(k2, (adj.shape[0],))
    scores = jnp.where(cand_mask, scores, -jnp.inf)
    new_node = jnp.where(n_cand > 0, jnp.argmax(scores), node)
    feature_row = jax.nn.one_hot(label, num_labels, dtype=jnp.float32).reshape(-1, 1)  # [L, 1]
    attention_score = attention[label]
    # state computation
    hidden_attention = attention.reshape(1, -1) @ theta_step_1   # [1, D]
    hidden_node = feature_row.T @ theta_step_2                   # [1, D]
    combined = jnp.concatenate([hidden_attention, hidden_node], axis=1)  # [1, 2D]
    state = combined @ theta_step_3                              # [1, C]
    state = state.reshape(1, 1, -1)
    return state, new_node, attention_score

if __name__ == "__main__":
    import jax
    _d = setup_inputs()
    print(jax.jit(kernel)(*tuple(_d.values())))

</pallas_src>

<mosaic_0001>
#map = affine_map<(d0, d1) -> (0, 0)>
#map1 = affine_map<(d0, d1) -> (0)>
module attributes {stable_mosaic.version = 14 : i64} {
  func.func @_sc_sample(%arg0: i32, %arg1: i32, %arg2: memref<4096x4096xf32, #tpu.memory_space<hbm>>, %arg3: memref<4096xf32, #tpu.memory_space<hbm>>, %arg4: memref<4096xi32, #tpu.memory_space<hbm>>, %arg5: memref<64xf32, #tpu.memory_space<hbm>>, %arg6: memref<1xi32, #tpu.memory_space<hbm>>, %arg7: memref<16xi32, #tpu.memory_space<hbm>>, %arg8: memref<16xf32, #tpu.memory_space<hbm>>, %arg9: memref<4096xf32, #tpu.memory_space<hbm>>, %arg10: memref<16xi32, #tpu.memory_space<hbm>>, %arg11: memref<16xi32, #tpu.memory_space<hbm>>, %arg12: memref<16xf32, #tpu.memory_space<hbm>>, %arg13: memref<1xi32, #tpu.memory_space<vmem>>, %arg14: memref<1x4096xf32, #tpu.memory_space<vmem>>, %arg15: memref<4096xf32, #tpu.memory_space<vmem>>, %arg16: memref<4096xi32, #tpu.memory_space<vmem>>, %arg17: memref<4096xf32, #tpu.memory_space<vmem>>, %arg18: memref<64xf32, #tpu.memory_space<vmem>>, %arg19: memref<16xi32, #tpu.memory_space<vmem>>, %arg20: memref<16xf32, #tpu.memory_space<vmem>>, %arg21: memref<16xf32, #tpu.memory_space<vmem>>, %arg22: memref<16xi32, #tpu.memory_space<vmem>>, %arg23: memref<16xi32, #tpu.memory_space<vmem>>, %arg24: memref<16xi32, #tpu.memory_space<vmem>>, %arg25: memref<16xf32, #tpu.memory_space<vmem>>, %arg26: memref<!tpu.dma_semaphore, #tpu.memory_space<semaphore_mem>>) attributes {dimension_semantics = [#tpu.dimension_semantics<core_parallel>, #tpu.dimension_semantics<subcore_parallel>], iteration_bounds = array<i64: 2, 16>, scalar_prefetch = 0 : i64, scratch_operands = 14 : i64, tpu.core_type = #tpu.core_type<sc_vector_subcore>, window_params = [{transform_indices = #map}, {transform_indices = #map1}, {transform_indices = #map1}, {transform_indices = #map1}, {transform_indices = #map1}, {transform_indices = #map1}, {transform_indices = #map1}, {transform_indices = #map1}, {transform_indices = #map1}, {transform_indices = #map1}, {transform_indices = #map1}]} {
    %eq3A = arith.constant 0 : i32
    %eq3A_0 = arith.cmpi eq, %arg0, %eq3A : i32
    %eq3A_1 = arith.constant 0 : i32
    %eq3A_2 = arith.cmpi eq, %arg1, %eq3A_1 : i32
    %and3A = arith.andi %eq3A_0, %eq3A_2 : i1
    %convert_element_type3A = arith.extui %and3A : i1 to i32
    %cond3A = arith.constant 0 : i32
    %cond3A_3 = arith.cmpi ne, %convert_element_type3A, %cond3A : i32
    scf.if %cond3A_3 {
      %iota3A = tpu.iota {dimensions = array<i32: 0>} : vector<16xi32>
      "tpu.region"() ({
        %run_scoped3A = tpu.sem_alloc : memref<!tpu.dma_semaphore, #tpu.memory_space<semaphore_mem>>
        tpu.enqueue_dma source(%arg6 : memref<1xi32, #tpu.memory_space<hbm>>) target(%arg13 : memref<1xi32, #tpu.memory_space<vmem>>) target_semaphore(%run_scoped3A : memref<!tpu.dma_semaphore, #tpu.memory_space<semaphore_mem>>)
        tpu.wait_dma2 semaphore(%run_scoped3A : memref<!tpu.dma_semaphore, #tpu.memory_space<semaphore_mem>>) src(%arg6 : memref<1xi32, #tpu.memory_space<hbm>>) dst(%arg13 : memref<1xi32, #tpu.memory_space<vmem>>)
        tpu.yield
      }) : () -> ()
      "tpu.region"() ({
        %run_scoped3A = tpu.sem_alloc : memref<!tpu.dma_semaphore, #tpu.memory_space<semaphore_mem>>
        tpu.enqueue_dma source(%arg7 : memref<16xi32, #tpu.memory_space<hbm>>) target(%arg19 : memref<16xi32, #tpu.memory_space<vmem>>) target_semaphore(%run_scoped3A : memref<!tpu.dma_semaphore, #tpu.memory_space<semaphore_mem>>)
        tpu.wait_dma2 semaphore(%run_scoped3A : memref<!tpu.dma_semaphore, #tpu.memory_space<semaphore_mem>>) src(%arg7 : memref<16xi32, #tpu.memory_space<hbm>>) dst(%arg19 : memref<16xi32, #tpu.memory_space<vmem>>)
        tpu.yield
      }) : () -> ()
      "tpu.region"() ({
        %run_scoped3A = tpu.sem_alloc : memref<!tpu.dma_semaphore, #tpu.memory_space<semaphore_mem>>
        tpu.enqueue_dma source(%arg8 : memref<16xf32, #tpu.memory_space<hbm>>) target(%arg20 : memref<16xf32, #tpu.memory_space<vmem>>) target_semaphore(%run_scoped3A : memref<!tpu.dma_semaphore, #tpu.memory_space<semaphore_mem>>)
        tpu.wait_dma2 semaphore(%run_scoped3A : memref<!tpu.dma_semaphore, #tpu.memory_space<semaphore_mem>>) src(%arg8 : memref<16xf32, #tpu.memory_space<hbm>>) dst(%arg20 : memref<16xf32, #tpu.memory_space<vmem>>)
        tpu.yield
      }) : () -> ()
      %get3A = arith.constant 0 : index
      %get3A_4 = tpu.vector_load %arg19[%get3A] {strides = array<i32>} : memref<16xi32, #tpu.memory_space<vmem>>, vector<16xi32>,
      %slice3A = vector.extract_strided_slice %get3A_4 {offsets = [0], sizes = [1], strides = [1]} : vector<16xi32> to vector<1xi32>
      %squeeze3A = vector.extract %slice3A[0] : i32 from vector<1xi32>
      "tpu.region"() ({
        %run_scoped3A = tpu.sem_alloc : memref<!tpu.dma_semaphore, #tpu.memory_space<semaphore_mem>>
        %dma_start3A = arith.constant 0 : i32
        %dma_start3A_600 = tpu.memref_slice %arg2[%squeeze3A, %dma_start3A] : memref<4096x4096xf32, #tpu.memory_space<hbm>> -> memref<1x4096xf32, #tpu.memory_space<hbm>>
        %dma_start3A_601 = arith.constant 0 : i32
        %dma_start3A_602 = tpu.memref_slice %arg2[%squeeze3A, %dma_start3A_601] : memref<4096x4096xf32, #tpu.memory_space<hbm>> -> memref<1x4096xf32, #tpu.memory_space<hbm>>
        tpu.enqueue_dma source(%dma_start3A_602 : memref<1x4096xf32, #tpu.memory_space<hbm>>) target(%arg14 : memref<1x4096xf32, #tpu.memory_space<vmem>>) target_semaphore(%run_scoped3A : memref<!tpu.dma_semaphore, #tpu.memory_space<semaphore_mem>>)
        %dma_wait3A = arith.constant 0 : i32
        %dma_wait3A_603 = tpu.memref_slice %arg2[%squeeze3A, %dma_wait3A] : memref<4096x4096xf32, #tpu.memory_space<hbm>> -> memref<1x4096xf32, #tpu.memory_space<hbm>>
        %dma_wait3A_604 = arith.constant 0 : i32
        %dma_wait3A_605 = tpu.memref_slice %arg2[%squeeze3A, %dma_wait3A_604] : memref<4096x4096xf32, #tpu.memory_space<hbm>> -> memref<1x4096xf32, #tpu.memory_space<hbm>>
        tpu.wait_dma2 semaphore(%run_scoped3A : memref<!tpu.dma_semaphore, #tpu.memory_space<semaphore_mem>>) src(%dma_wait3A_605 : memref<1x4096xf32, #tpu.memory_space<hbm>>) dst(%arg14 : memref<1x4096xf32, #tpu.memory_space<vmem>>)
        tpu.yield
      }) : () -> ()
      "tpu.region"() ({
        %run_scoped3A = tpu.sem_alloc : memref<!tpu.dma_semaphore, #tpu.memory_space<semaphore_mem>>
        tpu.enqueue_dma source(%arg3 : memref<4096xf32, #tpu.memory_space<hbm>>) target(%arg15 : memref<4096xf32, #tpu.memory_space<vmem>>) target_semaphore(%run_scoped3A : memref<!tpu.dma_semaphore, #tpu.memory_space<semaphore_mem>>)
        tpu.wait_dma2 semaphore(%run_scoped3A : memref<!tpu.dma_semaphore, #tpu.memory_space<semaphore_mem>>) src(%arg3 : memref<4096xf32, #tpu.memory_space<hbm>>) dst(%arg15 : memref<4096xf32, #tpu.memory_space<vmem>>)
        tpu.yield
      }) : () -> ()
      "tpu.region"() ({
        %run_scoped3A = tpu.sem_alloc : memref<!tpu.dma_semaphore, #tpu.memory_space<semaphore_mem>>
        tpu.enqueue_dma source(%arg4 : memref<4096xi32, #tpu.memory_space<hbm>>) target(%arg16 : memref<4096xi32, #tpu.memory_space<vmem>>) target_semaphore(%run_scoped3A : memref<!tpu.dma_semaphore, #tpu.memory_space<semaphore_mem>>)
        tpu.wait_dma2 semaphore(%run_scoped3A : memref<!tpu.dma_semaphore, #tpu.memory_space<semaphore_mem>>) src(%arg4 : memref<4096xi32, #tpu.memory_space<hbm>>) dst(%arg16 : memref<4096xi32, #tpu.memory_space<vmem>>)
        tpu.yield
      }) : () -> ()
      "tpu.region"() ({
        %run_scoped3A = tpu.sem_alloc : memref<!tpu.dma_semaphore, #tpu.memory_space<semaphore_mem>>
        tpu.enqueue_dma source(%arg9 : memref<4096xf32, #tpu.memory_space<hbm>>) target(%arg17 : memref<4096xf32, #tpu.memory_space<vmem>>) target_semaphore(%run_scoped3A : memref<!tpu.dma_semaphore, #tpu.memory_space<semaphore_mem>>)
        tpu.wait_dma2 semaphore(%run_scoped3A : memref<!tpu.dma_semaphore, #tpu.memory_space<semaphore_mem>>) src(%arg9 : memref<4096xf32, #tpu.memory_space<hbm>>) dst(%arg17 : memref<4096xf32, #tpu.memory_space<vmem>>)
        tpu.yield
      }) : () -> ()
      "tpu.region"() ({
        %run_scoped3A = tpu.sem_alloc : memref<!tpu.dma_semaphore, #tpu.memory_space<semaphore_mem>>
        tpu.enqueue_dma source(%arg5 : memref<64xf32, #tpu.memory_space<hbm>>) target(%arg18 : memref<64xf32, #tpu.memory_space<vmem>>) target_semaphore(%run_scoped3A : memref<!tpu.dma_semaphore, #tpu.memory_space<semaphore_mem>>)
        tpu.wait_dma2 semaphore(%run_scoped3A : memref<!tpu.dma_semaphore, #tpu.memory_space<semaphore_mem>>) src(%arg5 : memref<64xf32, #tpu.memory_space<hbm>>) dst(%arg18 : memref<64xf32, #tpu.memory_space<vmem>>)
        tpu.yield
      }) : () -> ()
      %get3A_5 = arith.constant 0 : index
      %get3A_6 = tpu.vector_load %arg20[%get3A_5] {strides = array<i32>} : memref<16xf32, #tpu.memory_space<vmem>>, vector<16xf32>,
      %broadcast_in_dim3A = arith.constant 0.000000e+00 : f32
      %broadcast_in_dim3A_7 = vector.broadcast %broadcast_in_dim3A : f32 to vector<16xf32>
      %scan3A = arith.constant 0 : i32
      %scan3A_8 = arith.constant 256 : i32
      %scan3A_9 = arith.addi %scan3A, %scan3A_8 : i32
      %scan3A_10 = arith.constant 8 : i32
      %scan3A_11 = scf.for %scan3A_600 = %scan3A to %scan3A_9 step %scan3A_10 iter_args(%scan3A_601 = %broadcast_in_dim3A_7) -> (vector<16xf32>)  : i32 {
        %mul3A_602 = arith.constant 16 : i32
        %mul3A_603 = arith.muli %scan3A_600, %mul3A_602 : i32
        %get3A_604 = arith.constant 0 : i32
        %get3A_605 = arith.index_cast %get3A_604 : i32 to index
        %get3A_606 = arith.index_cast %mul3A_603 : i32 to index
        %get3A_607 = tpu.vector_load %arg14[%get3A_605, %get3A_606] {strides = array<i32>} : memref<1x4096xf32, #tpu.memory_space<vmem>>, vector<16xf32>,
        %get3A_608 = arith.index_cast %mul3A_603 : i32 to index
        %get3A_609 = tpu.vector_load %arg15[%get3A_608] {strides = array<i32>} : memref<4096xf32, #tpu.memory_space<vmem>>, vector<16xf32>,
        %mul3A_610 = arith.mulf %get3A_607, %get3A_609 : vector<16xf32>
        %add3A_611 = arith.addf %scan3A_601, %mul3A_610 : vector<16xf32>
        %scan3A_612 = arith.constant 1 : i32
        %scan3A_613 = arith.addi %scan3A_600, %scan3A_612 : i32
        %mul3A_614 = arith.constant 16 : i32
        %mul3A_615 = arith.muli %scan3A_613, %mul3A_614 : i32
        %get3A_616 = arith.constant 0 : i32
        %get3A_617 = arith.index_cast %get3A_616 : i32 to index
        %get3A_618 = arith.index_cast %mul3A_615 : i32 to index
        %get3A_619 = tpu.vector_load %arg14[%get3A_617, %get3A_618] {strides = array<i32>} : memref<1x4096xf32, #tpu.memory_space<vmem>>, vector<16xf32>,
        %get3A_620 = arith.index_cast %mul3A_615 : i32 to index
        %get3A_621 = tpu.vector_load %arg15[%get3A_620] {strides = array<i32>} : memref<4096xf32, #tpu.memory_space<vmem>>, vector<16xf32>,
        %mul3A_622 = arith.mulf %get3A_619, %get3A_621 : vector<16xf32>
        %add3A_623 = arith.addf %add3A_611, %mul3A_622 : vector<16xf32>
        %scan3A_624 = arith.constant 2 : i32
        %scan3A_625 = arith.addi %scan3A_600, %scan3A_624 : i32
        %mul3A_626 = arith.constant 16 : i32
        %mul3A_627 = arith.muli %scan3A_625, %mul3A_626 : i32
        %get3A_628 = arith.constant 0 : i32
        %get3A_629 = arith.index_cast %get3A_628 : i32 to index
        %get3A_630 = arith.index_cast %mul3A_627 : i32 to index
        %get3A_631 = tpu.vector_load %arg14[%get3A_629, %get3A_630] {strides = array<i32>} : memref<1x4096xf32, #tpu.memory_space<vmem>>, vector<16xf32>,
        %get3A_632 = arith.index_cast %mul3A_627 : i32 to index
        %get3A_633 = tpu.vector_load %arg15[%get3A_632] {strides = array<i32>} : memref<4096xf32, #tpu.memory_space<vmem>>, vector<16xf32>,
        %mul3A_634 = arith.mulf %get3A_631, %get3A_633 : vector<16xf32>
        %add3A_635 = arith.addf %add3A_623, %mul3A_634 : vector<16xf32>
        %scan3A_636 = arith.constant 3 : i32
        %scan3A_637 = arith.addi %scan3A_600, %scan3A_636 : i32
        %mul3A_638 = arith.constant 16 : i32
        %mul3A_639 = arith.muli %scan3A_637, %mul3A_638 : i32
        %get3A_640 = arith.constant 0 : i32
        %get3A_641 = arith.index_cast %get3A_640 : i32 to index
        %get3A_642 = arith.index_cast %mul3A_639 : i32 to index
        %get3A_643 = tpu.vector_load %arg14[%get3A_641, %get3A_642] {strides = array<i32>} : memref<1x4096xf32, #tpu.memory_space<vmem>>, vector<16xf32>,
        %get3A_644 = arith.index_cast %mul3A_639 : i32 to index
        %get3A_645 = tpu.vector_load %arg15[%get3A_644] {strides = array<i32>} : memref<4096xf32, #tpu.memory_space<vmem>>, vector<16xf32>,
        %mul3A_646 = arith.mulf %get3A_643, %get3A_645 : vector<16xf32>
        %add3A_647 = arith.addf %add3A_635, %mul3A_646 : vector<16xf32>
        %scan3A_648 = arith.constant 4 : i32
        %scan3A_649 = arith.addi %scan3A_600, %scan3A_648 : i32
        %mul3A_650 = arith.constant 16 : i32
        %mul3A_651 = arith.muli %scan3A_649, %mul3A_650 : i32
        %get3A_652 = arith.constant 0 : i32
        %get3A_653 = arith.index_cast %get3A_652 : i32 to index
        %get3A_654 = arith.index_cast %mul3A_651 : i32 to index
        %get3A_655 = tpu.vector_load %arg14[%get3A_653, %get3A_654] {strides = array<i32>} : memref<1x4096xf32, #tpu.memory_space<vmem>>, vector<16xf32>,
        %get3A_656 = arith.index_cast %mul3A_651 : i32 to index
        %get3A_657 = tpu.vector_load %arg15[%get3A_656] {strides = array<i32>} : memref<4096xf32, #tpu.memory_space<vmem>>, vector<16xf32>,
        %mul3A_658 = arith.mulf %get3A_655, %get3A_657 : vector<16xf32>
        %add3A_659 = arith.addf %add3A_647, %mul3A_658 : vector<16xf32>
        %scan3A_660 = arith.constant 5 : i32
        %scan3A_661 = arith.addi %scan3A_600, %scan3A_660 : i32
        %mul3A_662 = arith.constant 16 : i32
        %mul3A_663 = arith.muli %scan3A_661, %mul3A_662 : i32
        %get3A_664 = arith.constant 0 : i32
        %get3A_665 = arith.index_cast %get3A_664 : i32 to index
        %get3A_666 = arith.index_cast %mul3A_663 : i32 to index
        %get3A_667 = tpu.vector_load %arg14[%get3A_665, %get3A_666] {strides = array<i32>} : memref<1x4096xf32, #tpu.memory_space<vmem>>, vector<16xf32>,
        %get3A_668 = arith.index_cast %mul3A_663 : i32 to index
        %get3A_669 = tpu.vector_load %arg15[%get3A_668] {strides = array<i32>} : memref<4096xf32, #tpu.memory_space<vmem>>, vector<16xf32>,
        %mul3A_670 = arith.mulf %get3A_667, %get3A_669 : vector<16xf32>
        %add3A_671 = arith.addf %add3A_659, %mul3A_670 : vector<16xf32>
        %scan3A_672 = arith.constant 6 : i32
        %scan3A_673 = arith.addi %scan3A_600, %scan3A_672 : i32
        %mul3A_674 = arith.constant 16 : i32
        %mul3A_675 = arith.muli %scan3A_673, %mul3A_674 : i32
        %get3A_676 = arith.constant 0 : i32
        %get3A_677 = arith.index_cast %get3A_676 : i32 to index
        %get3A_678 = arith.index_cast %mul3A_675 : i32 to index
        %get3A_679 = tpu.vector_load %arg14[%get3A_677, %get3A_678] {strides = array<i32>} : memref<1x4096xf32, #tpu.memory_space<vmem>>, vector<16xf32>,
        %get3A_680 = arith.index_cast %mul3A_675 : i32 to index
        %get3A_681 = tpu.vector_load %arg15[%get3A_680] {strides = array<i32>} : memref<4096xf32, #tpu.memory_space<vmem>>, vector<16xf32>,
        %mul3A_682 = arith.mulf %get3A_679, %get3A_681 : vector<16xf32>
        %add3A_683 = arith.addf %add3A_671, %mul3A_682 : vector<16xf32>
        %scan3A_684 = arith.constant 7 : i32
        %scan3A_685 = arith.addi %scan3A_600, %scan3A_684 : i32
        %mul3A_686 = arith.constant 16 : i32
        %mul3A_687 = arith.muli %scan3A_685, %mul3A_686 : i32
        %get3A_688 = arith.constant 0 : i32
        %get3A_689 = arith.index_cast %get3A_688 : i32 to index
        %get3A_690 = arith.index_cast %mul3A_687 : i32 to index
        %get3A_691 = tpu.vector_load %arg14[%get3A_689, %get3A_690] {strides = array<i32>} : memref<1x4096xf32, #tpu.memory_space<vmem>>, vector<16xf32>,
        %get3A_692 = arith.index_cast %mul3A_687 : i32 to index
        %get3A_693 = tpu.vector_load %arg15[%get3A_692] {strides = array<i32>} : memref<4096xf32, #tpu.memory_space<vmem>>, vector<16xf32>,
        %mul3A_694 = arith.mulf %get3A_691, %get3A_693 : vector<16xf32>
        %add3A_695 = arith.addf %add3A_683, %mul3A_694 : vector<16xf32>
        scf.yield %add3A_695 : vector<16xf32>
      }
      %scan3A_12 = arith.constant 256 : i32
      %swap3A = arith.constant 0 : index
      %swap3A_13 = tpu.vector_load %arg21[%swap3A] {strides = array<i32>} : memref<16xf32, #tpu.memory_space<vmem>>, vector<16xf32>,
      tpu.vector_store %arg21[%swap3A], %scan3A_11 {strides = array<i32>} : memref<16xf32, #tpu.memory_space<vmem>>, vector<16xf32>,
      %xor3A = arith.constant 8 : i32
      %xor3A_14 = vector.broadcast %xor3A : i32 to vector<16xi32>
      %xor3A_15 = arith.xori %iota3A, %xor3A_14 : vector<16xi32>
      %gather3A = tpu.vector_load_idx %arg21[%xor3A_15] : memref<16xf32, #tpu.memory_space<vmem>>[vector<16xi32>], vector<16xf32>,
      %add3A = arith.addf %scan3A_11, %gather3A : vector<16xf32>
      %swap3A_16 = arith.constant 0 : index
      %swap3A_17 = tpu.vector_load %arg21[%swap3A_16] {strides = array<i32>} : memref<16xf32, #tpu.memory_space<vmem>>, vector<16xf32>,
      tpu.vector_store %arg21[%swap3A_16], %add3A {strides = array<i32>} : memref<16xf32, #tpu.memory_space<vmem>>, vector<16xf32>,
      %xor3A_18 = arith.constant 4 : i32
      %xor3A_19 = vector.broadcast %xor3A_18 : i32 to vector<16xi32>
      %xor3A_20 = arith.xori %iota3A, %xor3A_19 : vector<16xi32>
      %gather3A_21 = tpu.vector_load_idx %arg21[%xor3A_20] : memref<16xf32, #tpu.memory_space<vmem>>[vector<16xi32>], vector<16xf32>,
      %add3A_22 = arith.addf %add3A, %gather3A_21 : vector<16xf32>
      %swap3A_23 = arith.constant 0 : index
      %swap3A_24 = tpu.vector_load %arg21[%swap3A_23] {strides = array<i32>} : memref<16xf32, #tpu.memory_space<vmem>>, vector<16xf32>,
      tpu.vector_store %arg21[%swap3A_23], %add3A_22 {strides = array<i32>} : memref<16xf32, #tpu.memory_space<vmem>>, vector<16xf32>,
      %xor3A_25 = arith.constant 2 : i32
      %xor3A_26 = vector.broadcast %xor3A_25 : i32 to vector<16xi32>
      %xor3A_27 = arith.xori %iota3A, %xor3A_26 : vector<16xi32>
      %gather3A_28 = tpu.vector_load_idx %arg21[%xor3A_27] : memref<16xf32, #tpu.memory_space<vmem>>[vector<16xi32>], vector<16xf32>,
      %add3A_29 = arith.addf %add3A_22, %gather3A_28 : vector<16xf32>
      %swap3A_30 = arith.constant 0 : index
      %swap3A_31 = tpu.vector_load %arg21[%swap3A_30] {strides = array<i32>} : memref<16xf32, #tpu.memory_space<vmem>>, vector<16xf32>,
      tpu.vector_store %arg21[%swap3A_30], %add3A_29 {strides = array<i32>} : memref<16xf32, #tpu.memory_space<vmem>>, vector<16xf32>,
      %xor3A_32 = arith.constant 1 : i32
      %xor3A_33 = vector.broadcast %xor3A_32 : i32 to vector<16xi32>
      %xor3A_34 = arith.xori %iota3A, %xor3A_33 : vector<16xi32>
      %gather3A_35 = tpu.vector_load_idx %arg21[%xor3A_34] : memref<16xf32, #tpu.memory_space<vmem>>[vector<16xi32>], vector<16xf32>,
      %add3A_36 = arith.addf %add3A_29, %gather3A_35 : vector<16xf32>
      %broadcast_in_dim3A_37 = arith.constant 0.000000e+00 : f32
      %broadcast_in_dim3A_38 = vector.broadcast %broadcast_in_dim3A_37 : f32 to vector<16xf32>
      %get3A_39 = arith.constant 0 : index
      %get3A_40 = tpu.vector_load %arg18[%get3A_39] {strides = array<i32>} : memref<64xf32, #tpu.memory_space<vmem>>, vector<16xf32>,
      %mul3A = arith.mulf %get3A_40, %add3A_36 : vector<16xf32>
      %add3A_41 = arith.addf %broadcast_in_dim3A_38, %mul3A : vector<16xf32>
      %get3A_42 = arith.constant 16 : index
      %get3A_43 = tpu.vector_load %arg18[%get3A_42] {strides = array<i32>} : memref<64xf32, #tpu.memory_space<vmem>>, vector<16xf32>,
      %mul3A_44 = arith.mulf %get3A_43, %add3A_36 : vector<16xf32>
      %add3A_45 = arith.addf %add3A_41, %mul3A_44 : vector<16xf32>
      %get3A_46 = arith.constant 32 : index
      %get3A_47 = tpu.vector_load %arg18[%get3A_46] {strides = array<i32>} : memref<64xf32, #tpu.memory_space<vmem>>, vector<16xf32>,
      %mul3A_48 = arith.mulf %get3A_47, %add3A_36 : vector<16xf32>
      %add3A_49 = arith.addf %add3A_45, %mul3A_48 : vector<16xf32>
      %get3A_50 = arith.constant 48 : index
      %get3A_51 = tpu.vector_load %arg18[%get3A_50] {strides = array<i32>} : memref<64xf32, #tpu.memory_space<vmem>>, vector<16xf32>,
      %mul3A_52 = arith.mulf %get3A_51, %add3A_36 : vector<16xf32>
      %add3A_53 = arith.addf %add3A_49, %mul3A_52 : vector<16xf32>
      %swap3A_54 = arith.constant 0 : index
      %swap3A_55 = tpu.vector_load %arg21[%swap3A_54] {strides = array<i32>} : memref<16xf32, #tpu.memory_space<vmem>>, vector<16xf32>,
      tpu.vector_store %arg21[%swap3A_54], %add3A_53 {strides = array<i32>} : memref<16xf32, #tpu.memory_space<vmem>>, vector<16xf32>,
      %xor3A_56 = arith.constant 8 : i32
      %xor3A_57 = vector.broadcast %xor3A_56 : i32 to vector<16xi32>
      %xor3A_58 = arith.xori %iota3A, %xor3A_57 : vector<16xi32>
      %gather3A_59 = tpu.vector_load_idx %arg21[%xor3A_58] : memref<16xf32, #tpu.memory_space<vmem>>[vector<16xi32>], vector<16xf32>,
      %add3A_60 = arith.addf %add3A_53, %gather3A_59 : vector<16xf32>
      %swap3A_61 = arith.constant 0 : index
      %swap3A_62 = tpu.vector_load %arg21[%swap3A_61] {strides = array<i32>} : memref<16xf32, #tpu.memory_space<vmem>>, vector<16xf32>,
      tpu.vector_store %arg21[%swap3A_61], %add3A_60 {strides = array<i32>} : memref<16xf32, #tpu.memory_space<vmem>>, vector<16xf32>,
      %xor3A_63 = arith.constant 4 : i32
      %xor3A_64 = vector.broadcast %xor3A_63 : i32 to vector<16xi32>
      %xor3A_65 = arith.xori %iota3A, %xor3A_64 : vector<16xi32>
      %gather3A_66 = tpu.vector_load_idx %arg21[%xor3A_65] : memref<16xf32, #tpu.memory_space<vmem>>[vector<16xi32>], vector<16xf32>,
      %add3A_67 = arith.addf %add3A_60, %gather3A_66 : vector<16xf32>
      %swap3A_68 = arith.constant 0 : index
      %swap3A_69 = tpu.vector_load %arg21[%swap3A_68] {strides = array<i32>} : memref<16xf32, #tpu.memory_space<vmem>>, vector<16xf32>,
      tpu.vector_store %arg21[%swap3A_68], %add3A_67 {strides = array<i32>} : memref<16xf32, #tpu.memory_space<vmem>>, vector<16xf32>,
      %xor3A_70 = arith.constant 2 : i32
      %xor3A_71 = vector.broadcast %xor3A_70 : i32 to vector<16xi32>
      %xor3A_72 = arith.xori %iota3A, %xor3A_71 : vector<16xi32>
      %gather3A_73 = tpu.vector_load_idx %arg21[%xor3A_72] : memref<16xf32, #tpu.memory_space<vmem>>[vector<16xi32>], vector<16xf32>,
      %add3A_74 = arith.addf %add3A_67, %gather3A_73 : vector<16xf32>
      %swap3A_75 = arith.constant 0 : index
      %swap3A_76 = tpu.vector_load %arg21[%swap3A_75] {strides = array<i32>} : memref<16xf32, #tpu.memory_space<vmem>>, vector<16xf32>,
      tpu.vector_store %arg21[%swap3A_75], %add3A_74 {strides = array<i32>} : memref<16xf32, #tpu.memory_space<vmem>>, vector<16xf32>,
      %xor3A_77 = arith.constant 1 : i32
      %xor3A_78 = vector.broadcast %xor3A_77 : i32 to vector<16xi32>
      %xor3A_79 = arith.xori %iota3A, %xor3A_78 : vector<16xi32>
      %gather3A_80 = tpu.vector_load_idx %arg21[%xor3A_79] : memref<16xf32, #tpu.memory_space<vmem>>[vector<16xi32>], vector<16xf32>,
      %add3A_81 = arith.addf %add3A_74, %gather3A_80 : vector<16xf32>
      %broadcast_in_dim3A_82 = arith.constant 0.000000e+00 : f32
      %broadcast_in_dim3A_83 = vector.broadcast %broadcast_in_dim3A_82 : f32 to vector<16xf32>
      %get3A_84 = arith.constant 0 : index
      %get3A_85 = tpu.vector_load %arg18[%get3A_84] {strides = array<i32>} : memref<64xf32, #tpu.memory_space<vmem>>, vector<16xf32>,
      %mul3A_86 = arith.mulf %get3A_85, %add3A_36 : vector<16xf32>
      %div3A = arith.divf %mul3A_86, %add3A_81 : vector<16xf32>
      %swap3A_87 = arith.constant 0 : index
      %swap3A_88 = tpu.vector_load %arg21[%swap3A_87] {strides = array<i32>} : memref<16xf32, #tpu.memory_space<vmem>>, vector<16xf32>,
      tpu.vector_store %arg21[%swap3A_87], %div3A {strides = array<i32>} : memref<16xf32, #tpu.memory_space<vmem>>, vector<16xf32>,
      %sub3A = arith.constant 1 : i32
      %sub3A_89 = vector.broadcast %sub3A : i32 to vector<16xi32>
      %sub3A_90 = arith.subi %iota3A, %sub3A_89 : vector<16xi32>
      %max3A = arith.constant 0 : i32
      %max3A_91 = vector.broadcast %max3A : i32 to vector<16xi32>
      %max3A_92 = arith.maxsi %sub3A_90, %max3A_91 : vector<16xi32>
      %gather3A_93 = tpu.vector_load_idx %arg21[%max3A_92] : memref<16xf32, #tpu.memory_space<vmem>>[vector<16xi32>], vector<16xf32>,
      %ge3A = arith.constant 1 : i32
      %ge3A_94 = vector.broadcast %ge3A : i32 to vector<16xi32>
      %ge3A_95 = arith.cmpi sge, %iota3A, %ge3A_94 : vector<16xi32>
      %jit3A = arith.constant 0.000000e+00 : f32
      %broadcast_in_dim3A_96 = vector.broadcast %jit3A : f32 to vector<16xf32>
      %select_n3A = arith.select %ge3A_95, %gather3A_93, %broadcast_in_dim3A_96 : vector<16xi1>, vector<16xf32>
      %add3A_97 = arith.addf %div3A, %select_n3A : vector<16xf32>
      %swap3A_98 = arith.constant 0 : index
      %swap3A_99 = tpu.vector_load %arg21[%swap3A_98] {strides = array<i32>} : memref<16xf32, #tpu.memory_space<vmem>>, vector<16xf32>,
      tpu.vector_store %arg21[%swap3A_98], %add3A_97 {strides = array<i32>} : memref<16xf32, #tpu.memory_space<vmem>>, vector<16xf32>,
      %sub3A_100 = arith.constant 2 : i32
      %sub3A_101 = vector.broadcast %sub3A_100 : i32 to vector<16xi32>
      %sub3A_102 = arith.subi %iota3A, %sub3A_101 : vector<16xi32>
      %max3A_103 = arith.constant 0 : i32
      %max3A_104 = vector.broadcast %max3A_103 : i32 to vector<16xi32>
      %max3A_105 = arith.maxsi %sub3A_102, %max3A_104 : vector<16xi32>
      %gather3A_106 = tpu.vector_load_idx %arg21[%max3A_105] : memref<16xf32, #tpu.memory_space<vmem>>[vector<16xi32>], vector<16xf32>,
      %ge3A_107 = arith.constant 2 : i32
      %ge3A_108 = vector.broadcast %ge3A_107 : i32 to vector<16xi32>
      %ge3A_109 = arith.cmpi sge, %iota3A, %ge3A_108 : vector<16xi32>
      %jit3A_110 = arith.constant 0.000000e+00 : f32
      %broadcast_in_dim3A_111 = vector.broadcast %jit3A_110 : f32 to vector<16xf32>
      %select_n3A_112 = arith.select %ge3A_109, %gather3A_106, %broadcast_in_dim3A_111 : vector<16xi1>, vector<16xf32>
      %add3A_113 = arith.addf %add3A_97, %select_n3A_112 : vector<16xf32>
      %swap3A_114 = arith.constant 0 : index
      %swap3A_115 = tpu.vector_load %arg21[%swap3A_114] {strides = array<i32>} : memref<16xf32, #tpu.memory_space<vmem>>, vector<16xf32>,
      tpu.vector_store %arg21[%swap3A_114], %add3A_113 {strides = array<i32>} : memref<16xf32, #tpu.memory_space<vmem>>, vector<16xf32>,
      %sub3A_116 = arith.constant 4 : i32
      %sub3A_117 = vector.broadcast %sub3A_116 : i32 to vector<16xi32>
      %sub3A_118 = arith.subi %iota3A, %sub3A_117 : vector<16xi32>
      %max3A_119 = arith.constant 0 : i32
      %max3A_120 = vector.broadcast %max3A_119 : i32 to vector<16xi32>
      %max3A_121 = arith.maxsi %sub3A_118, %max3A_120 : vector<16xi32>
      %gather3A_122 = tpu.vector_load_idx %arg21[%max3A_121] : memref<16xf32, #tpu.memory_space<vmem>>[vector<16xi32>], vector<16xf32>,
      %ge3A_123 = arith.constant 4 : i32
      %ge3A_124 = vector.broadcast %ge3A_123 : i32 to vector<16xi32>
      %ge3A_125 = arith.cmpi sge, %iota3A, %ge3A_124 : vector<16xi32>
      %jit3A_126 = arith.constant 0.000000e+00 : f32
      %broadcast_in_dim3A_127 = vector.broadcast %jit3A_126 : f32 to vector<16xf32>
      %select_n3A_128 = arith.select %ge3A_125, %gather3A_122, %broadcast_in_dim3A_127 : vector<16xi1>, vector<16xf32>
      %add3A_129 = arith.addf %add3A_113, %select_n3A_128 : vector<16xf32>
      %swap3A_130 = arith.constant 0 : index
      %swap3A_131 = tpu.vector_load %arg21[%swap3A_130] {strides = array<i32>} : memref<16xf32, #tpu.memory_space<vmem>>, vector<16xf32>,
      tpu.vector_store %arg21[%swap3A_130], %add3A_129 {strides = array<i32>} : memref<16xf32, #tpu.memory_space<vmem>>, vector<16xf32>,
      %sub3A_132 = arith.constant 8 : i32
      %sub3A_133 = vector.broadcast %sub3A_132 : i32 to vector<16xi32>
      %sub3A_134 = arith.subi %iota3A, %sub3A_133 : vector<16xi32>
      %max3A_135 = arith.constant 0 : i32
      %max3A_136 = vector.broadcast %max3A_135 : i32 to vector<16xi32>
      %max3A_137 = arith.maxsi %sub3A_134, %max3A_136 : vector<16xi32>
      %gather3A_138 = tpu.vector_load_idx %arg21[%max3A_137] : memref<16xf32, #tpu.memory_space<vmem>>[vector<16xi32>], vector<16xf32>,
      %ge3A_139 = arith.constant 8 : i32
      %ge3A_140 = vector.broadcast %ge3A_139 : i32 to vector<16xi32>
      %ge3A_141 = arith.cmpi sge, %iota3A, %ge3A_140 : vector<16xi32>
      %jit3A_142 = arith.constant 0.000000e+00 : f32
      %broadcast_in_dim3A_143 = vector.broadcast %jit3A_142 : f32 to vector<16xf32>
      %select_n3A_144 = arith.select %ge3A_141, %gather3A_138, %broadcast_in_dim3A_143 : vector<16xi1>, vector<16xf32>
      %add3A_145 = arith.addf %add3A_129, %select_n3A_144 : vector<16xf32>
      %add3A_146 = arith.addf %add3A_145, %broadcast_in_dim3A_83 : vector<16xf32>
      %swap3A_147 = arith.constant 0 : index
      %swap3A_148 = tpu.vector_load %arg21[%swap3A_147] {strides = array<i32>} : memref<16xf32, #tpu.memory_space<vmem>>, vector<16xf32>,
      tpu.vector_store %arg21[%swap3A_147], %add3A_146 {strides = array<i32>} : memref<16xf32, #tpu.memory_space<vmem>>, vector<16xf32>,
      %broadcast_in_dim3A_149 = arith.constant 15 : i32
      %broadcast_in_dim3A_150 = vector.broadcast %broadcast_in_dim3A_149 : i32 to vector<16xi32>
      %gather3A_151 = tpu.vector_load_idx %arg21[%broadcast_in_dim3A_150] : memref<16xf32, #tpu.memory_space<vmem>>[vector<16xi32>], vector<16xf32>,
      %get3A_152 = arith.constant 16 : index
      %get3A_153 = tpu.vector_load %arg18[%get3A_152] {strides = array<i32>} : memref<64xf32, #tpu.memory_space<vmem>>, vector<16xf32>,
      %mul3A_154 = arith.mulf %get3A_153, %add3A_36 : vector<16xf32>
      %div3A_155 = arith.divf %mul3A_154, %add3A_81 : vector<16xf32>
      %swap3A_156 = arith.constant 0 : index
      %swap3A_157 = tpu.vector_load %arg21[%swap3A_156] {strides = array<i32>} : memref<16xf32, #tpu.memory_space<vmem>>, vector<16xf32>,
      tpu.vector_store %arg21[%swap3A_156], %div3A_155 {strides = array<i32>} : memref<16xf32, #tpu.memory_space<vmem>>, vector<16xf32>,
      %sub3A_158 = arith.constant 1 : i32
      %sub3A_159 = vector.broadcast %sub3A_158 : i32 to vector<16xi32>
      %sub3A_160 = arith.subi %iota3A, %sub3A_159 : vector<16xi32>
      %max3A_161 = arith.constant 0 : i32
      %max3A_162 = vector.broadcast %max3A_161 : i32 to vector<16xi32>
      %max3A_163 = arith.maxsi %sub3A_160, %max3A_162 : vector<16xi32>
      %gather3A_164 = tpu.vector_load_idx %arg21[%max3A_163] : memref<16xf32, #tpu.memory_space<vmem>>[vector<16xi32>], vector<16xf32>,
      %ge3A_165 = arith.constant 1 : i32
      %ge3A_166 = vector.broadcast %ge3A_165 : i32 to vector<16xi32>
      %ge3A_167 = arith.cmpi sge, %iota3A, %ge3A_166 : vector<16xi32>
      %jit3A_168 = arith.constant 0.000000e+00 : f32
      %broadcast_in_dim3A_169 = vector.broadcast %jit3A_168 : f32 to vector<16xf32>
      %select_n3A_170 = arith.select %ge3A_167, %gather3A_164, %broadcast_in_dim3A_169 : vector<16xi1>, vector<16xf32>
      %add3A_171 = arith.addf %div3A_155, %select_n3A_170 : vector<16xf32>
      %swap3A_172 = arith.constant 0 : index
      %swap3A_173 = tpu.vector_load %arg21[%swap3A_172] {strides = array<i32>} : memref<16xf32, #tpu.memory_space<vmem>>, vector<16xf32>,
      tpu.vector_store %arg21[%swap3A_172], %add3A_171 {strides = array<i32>} : memref<16xf32, #tpu.memory_space<vmem>>, vector<16xf32>,
      %sub3A_174 = arith.constant 2 : i32
      %sub3A_175 = vector.broadcast %sub3A_174 : i32 to vector<16xi32>
      %sub3A_176 = arith.subi %iota3A, %sub3A_175 : vector<16xi32>
      %max3A_177 = arith.constant 0 : i32
      %max3A_178 = vector.broadcast %max3A_177 : i32 to vector<16xi32>
      %max3A_179 = arith.maxsi %sub3A_176, %max3A_178 : vector<16xi32>
      %gather3A_180 = tpu.vector_load_idx %arg21[%max3A_179] : memref<16xf32, #tpu.memory_space<vmem>>[vector<16xi32>], vector<16xf32>,
      %ge3A_181 = arith.constant 2 : i32
      %ge3A_182 = vector.broadcast %ge3A_181 : i32 to vector<16xi32>
      %ge3A_183 = arith.cmpi sge, %iota3A, %ge3A_182 : vector<16xi32>
      %jit3A_184 = arith.constant 0.000000e+00 : f32
      %broadcast_in_dim3A_185 = vector.broadcast %jit3A_184 : f32 to vector<16xf32>
      %select_n3A_186 = arith.select %ge3A_183, %gather3A_180, %broadcast_in_dim3A_185 : vector<16xi1>, vector<16xf32>
      %add3A_187 = arith.addf %add3A_171, %select_n3A_186 : vector<16xf32>
      %swap3A_188 = arith.constant 0 : index
      %swap3A_189 = tpu.vector_load %arg21[%swap3A_188] {strides = array<i32>} : memref<16xf32, #tpu.memory_space<vmem>>, vector<16xf32>,
      tpu.vector_store %arg21[%swap3A_188], %add3A_187 {strides = array<i32>} : memref<16xf32, #tpu.memory_space<vmem>>, vector<16xf32>,
      %sub3A_190 = arith.constant 4 : i32
      %sub3A_191 = vector.broadcast %sub3A_190 : i32 to vector<16xi32>
      %sub3A_192 = arith.subi %iota3A, %sub3A_191 : vector<16xi32>
      %max3A_193 = arith.constant 0 : i32
      %max3A_194 = vector.broadcast %max3A_193 : i32 to vector<16xi32>
      %max3A_195 = arith.maxsi %sub3A_192, %max3A_194 : vector<16xi32>
      %gather3A_196 = tpu.vector_load_idx %arg21[%max3A_195] : memref<16xf32, #tpu.memory_space<vmem>>[vector<16xi32>], vector<16xf32>,
      %ge3A_197 = arith.constant 4 : i32
      %ge3A_198 = vector.broadcast %ge3A_197 : i32 to vector<16xi32>
      %ge3A_199 = arith.cmpi sge, %iota3A, %ge3A_198 : vector<16xi32>
      %jit3A_200 = arith.constant 0.000000e+00 : f32
      %broadcast_in_dim3A_201 = vector.broadcast %jit3A_200 : f32 to vector<16xf32>
      %select_n3A_202 = arith.select %ge3A_199, %gather3A_196, %broadcast_in_dim3A_201 : vector<16xi1>, vector<16xf32>
      %add3A_203 = arith.addf %add3A_187, %select_n3A_202 : vector<16xf32>
      %swap3A_204 = arith.constant 0 : index
      %swap3A_205 = tpu.vector_load %arg21[%swap3A_204] {strides = array<i32>} : memref<16xf32, #tpu.memory_space<vmem>>, vector<16xf32>,
      tpu.vector_store %arg21[%swap3A_204], %add3A_203 {strides = array<i32>} : memref<16xf32, #tpu.memory_space<vmem>>, vector<16xf32>,
      %sub3A_206 = arith.constant 8 : i32
      %sub3A_207 = vector.broadcast %sub3A_206 : i32 to vector<16xi32>
      %sub3A_208 = arith.subi %iota3A, %sub3A_207 : vector<16xi32>
      %max3A_209 = arith.constant 0 : i32
      %max3A_210 = vector.broadcast %max3A_209 : i32 to vector<16xi32>
      %max3A_211 = arith.maxsi %sub3A_208, %max3A_210 : vector<16xi32>
      %gather3A_212 = tpu.vector_load_idx %arg21[%max3A_211] : memref<16xf32, #tpu.memory_space<vmem>>[vector<16xi32>], vector<16xf32>,
      %ge3A_213 = arith.constant 8 : i32
      %ge3A_214 = vector.broadcast %ge3A_213 : i32 to vector<16xi32>
      %ge3A_215 = arith.cmpi sge, %iota3A, %ge3A_214 : vector<16xi32>
      %jit3A_216 = arith.constant 0.000000e+00 : f32
      %broadcast_in_dim3A_217 = vector.broadcast %jit3A_216 : f32 to vector<16xf32>
      %select_n3A_218 = arith.select %ge3A_215, %gather3A_212, %broadcast_in_dim3A_217 : vector<16xi1>, vector<16xf32>
      %add3A_219 = arith.addf %add3A_203, %select_n3A_218 : vector<16xf32>
      %add3A_220 = arith.addf %add3A_219, %gather3A_151 : vector<16xf32>
      %swap3A_221 = arith.constant 0 : index
      %swap3A_222 = tpu.vector_load %arg21[%swap3A_221] {strides = array<i32>} : memref<16xf32, #tpu.memory_space<vmem>>, vector<16xf32>,
      tpu.vector_store %arg21[%swap3A_221], %add3A_220 {strides = array<i32>} : memref<16xf32, #tpu.memory_space<vmem>>, vector<16xf32>,
      %broadcast_in_dim3A_223 = arith.constant 15 : i32
      %broadcast_in_dim3A_224 = vector.broadcast %broadcast_in_dim3A_223 : i32 to vector<16xi32>
      %gather3A_225 = tpu.vector_load_idx %arg21[%broadcast_in_dim3A_224] : memref<16xf32, #tpu.memory_space<vmem>>[vector<16xi32>], vector<16xf32>,
      %get3A_226 = arith.constant 32 : index
      %get3A_227 = tpu.vector_load %arg18[%get3A_226] {strides = array<i32>} : memref<64xf32, #tpu.memory_space<vmem>>, vector<16xf32>,
      %mul3A_228 = arith.mulf %get3A_227, %add3A_36 : vector<16xf32>
      %div3A_229 = arith.divf %mul3A_228, %add3A_81 : vector<16xf32>
      %swap3A_230 = arith.constant 0 : index
      %swap3A_231 = tpu.vector_load %arg21[%swap3A_230] {strides = array<i32>} : memref<16xf32, #tpu.memory_space<vmem>>, vector<16xf32>,
      tpu.vector_store %arg21[%swap3A_230], %div3A_229 {strides = array<i32>} : memref<16xf32, #tpu.memory_space<vmem>>, vector<16xf32>,
      %sub3A_232 = arith.constant 1 : i32
      %sub3A_233 = vector.broadcast %sub3A_232 : i32 to vector<16xi32>
      %sub3A_234 = arith.subi %iota3A, %sub3A_233 : vector<16xi32>
      %max3A_235 = arith.constant 0 : i32
      %max3A_236 = vector.broadcast %max3A_235 : i32 to vector<16xi32>
      %max3A_237 = arith.maxsi %sub3A_234, %max3A_236 : vector<16xi32>
      %gather3A_238 = tpu.vector_load_idx %arg21[%max3A_237] : memref<16xf32, #tpu.memory_space<vmem>>[vector<16xi32>], vector<16xf32>,
      %ge3A_239 = arith.constant 1 : i32
      %ge3A_240 = vector.broadcast %ge3A_239 : i32 to vector<16xi32>
      %ge3A_241 = arith.cmpi sge, %iota3A, %ge3A_240 : vector<16xi32>
      %jit3A_242 = arith.constant 0.000000e+00 : f32
      %broadcast_in_dim3A_243 = vector.broadcast %jit3A_242 : f32 to vector<16xf32>
      %select_n3A_244 = arith.select %ge3A_241, %gather3A_238, %broadcast_in_dim3A_243 : vector<16xi1>, vector<16xf32>
      %add3A_245 = arith.addf %div3A_229, %select_n3A_244 : vector<16xf32>
      %swap3A_246 = arith.constant 0 : index
      %swap3A_247 = tpu.vector_load %arg21[%swap3A_246] {strides = array<i32>} : memref<16xf32, #tpu.memory_space<vmem>>, vector<16xf32>,
      tpu.vector_store %arg21[%swap3A_246], %add3A_245 {strides = array<i32>} : memref<16xf32, #tpu.memory_space<vmem>>, vector<16xf32>,
      %sub3A_248 = arith.constant 2 : i32
      %sub3A_249 = vector.broadcast %sub3A_248 : i32 to vector<16xi32>
      %sub3A_250 = arith.subi %iota3A, %sub3A_249 : vector<16xi32>
      %max3A_251 = arith.constant 0 : i32
      %max3A_252 = vector.broadcast %max3A_251 : i32 to vector<16xi32>
      %max3A_253 = arith.maxsi %sub3A_250, %max3A_252 : vector<16xi32>
      %gather3A_254 = tpu.vector_load_idx %arg21[%max3A_253] : memref<16xf32, #tpu.memory_space<vmem>>[vector<16xi32>], vector<16xf32>,
      %ge3A_255 = arith.constant 2 : i32
      %ge3A_256 = vector.broadcast %ge3A_255 : i32 to vector<16xi32>
      %ge3A_257 = arith.cmpi sge, %iota3A, %ge3A_256 : vector<16xi32>
      %jit3A_258 = arith.constant 0.000000e+00 : f32
      %broadcast_in_dim3A_259 = vector.broadcast %jit3A_258 : f32 to vector<16xf32>
      %select_n3A_260 = arith.select %ge3A_257, %gather3A_254, %broadcast_in_dim3A_259 : vector<16xi1>, vector<16xf32>
      %add3A_261 = arith.addf %add3A_245, %select_n3A_260 : vector<16xf32>
      %swap3A_262 = arith.constant 0 : index
      %swap3A_263 = tpu.vector_load %arg21[%swap3A_262] {strides = array<i32>} : memref<16xf32, #tpu.memory_space<vmem>>, vector<16xf32>,
      tpu.vector_store %arg21[%swap3A_262], %add3A_261 {strides = array<i32>} : memref<16xf32, #tpu.memory_space<vmem>>, vector<16xf32>,
      %sub3A_264 = arith.constant 4 : i32
      %sub3A_265 = vector.broadcast %sub3A_264 : i32 to vector<16xi32>
      %sub3A_266 = arith.subi %iota3A, %sub3A_265 : vector<16xi32>
      %max3A_267 = arith.constant 0 : i32
      %max3A_268 = vector.broadcast %max3A_267 : i32 to vector<16xi32>
      %max3A_269 = arith.maxsi %sub3A_266, %max3A_268 : vector<16xi32>
      %gather3A_270 = tpu.vector_load_idx %arg21[%max3A_269] : memref<16xf32, #tpu.memory_space<vmem>>[vector<16xi32>], vector<16xf32>,
      %ge3A_271 = arith.constant 4 : i32
      %ge3A_272 = vector.broadcast %ge3A_271 : i32 to vector<16xi32>
      %ge3A_273 = arith.cmpi sge, %iota3A, %ge3A_272 : vector<16xi32>
      %jit3A_274 = arith.constant 0.000000e+00 : f32
      %broadcast_in_dim3A_275 = vector.broadcast %jit3A_274 : f32 to vector<16xf32>
      %select_n3A_276 = arith.select %ge3A_273, %gather3A_270, %broadcast_in_dim3A_275 : vector<16xi1>, vector<16xf32>
      %add3A_277 = arith.addf %add3A_261, %select_n3A_276 : vector<16xf32>
      %swap3A_278 = arith.constant 0 : index
      %swap3A_279 = tpu.vector_load %arg21[%swap3A_278] {strides = array<i32>} : memref<16xf32, #tpu.memory_space<vmem>>, vector<16xf32>,
      tpu.vector_store %arg21[%swap3A_278], %add3A_277 {strides = array<i32>} : memref<16xf32, #tpu.memory_space<vmem>>, vector<16xf32>,
      %sub3A_280 = arith.constant 8 : i32
      %sub3A_281 = vector.broadcast %sub3A_280 : i32 to vector<16xi32>
      %sub3A_282 = arith.subi %iota3A, %sub3A_281 : vector<16xi32>
      %max3A_283 = arith.constant 0 : i32
      %max3A_284 = vector.broadcast %max3A_283 : i32 to vector<16xi32>
      %max3A_285 = arith.maxsi %sub3A_282, %max3A_284 : vector<16xi32>
      %gather3A_286 = tpu.vector_load_idx %arg21[%max3A_285] : memref<16xf32, #tpu.memory_space<vmem>>[vector<16xi32>], vector<16xf32>,
      %ge3A_287 = arith.constant 8 : i32
      %ge3A_288 = vector.broadcast %ge3A_287 : i32 to vector<16xi32>
      %ge3A_289 = arith.cmpi sge, %iota3A, %ge3A_288 : vector<16xi32>
      %jit3A_290 = arith.constant 0.000000e+00 : f32
      %broadcast_in_dim3A_291 = vector.broadcast %jit3A_290 : f32 to vector<16xf32>
      %select_n3A_292 = arith.select %ge3A_289, %gather3A_286, %broadcast_in_dim3A_291 : vector<16xi1>, vector<16xf32>
      %add3A_293 = arith.addf %add3A_277, %select_n3A_292 : vector<16xf32>
      %add3A_294 = arith.addf %add3A_293, %gather3A_225 : vector<16xf32>
      %swap3A_295 = arith.constant 0 : index
      %swap3A_296 = tpu.vector_load %arg21[%swap3A_295] {strides = array<i32>} : memref<16xf32, #tpu.memory_space<vmem>>, vector<16xf32>,
      tpu.vector_store %arg21[%swap3A_295], %add3A_294 {strides = array<i32>} : memref<16xf32, #tpu.memory_space<vmem>>, vector<16xf32>,
      %broadcast_in_dim3A_297 = arith.constant 15 : i32
      %broadcast_in_dim3A_298 = vector.broadcast %broadcast_in_dim3A_297 : i32 to vector<16xi32>
      %gather3A_299 = tpu.vector_load_idx %arg21[%broadcast_in_dim3A_298] : memref<16xf32, #tpu.memory_space<vmem>>[vector<16xi32>], vector<16xf32>,
      %get3A_300 = arith.constant 48 : index
      %get3A_301 = tpu.vector_load %arg18[%get3A_300] {strides = array<i32>} : memref<64xf32, #tpu.memory_space<vmem>>, vector<16xf32>,
      %mul3A_302 = arith.mulf %get3A_301, %add3A_36 : vector<16xf32>
      %div3A_303 = arith.divf %mul3A_302, %add3A_81 : vector<16xf32>
      %swap3A_304 = arith.constant 0 : index
      %swap3A_305 = tpu.vector_load %arg21[%swap3A_304] {strides = array<i32>} : memref<16xf32, #tpu.memory_space<vmem>>, vector<16xf32>,
      tpu.vector_store %arg21[%swap3A_304], %div3A_303 {strides = array<i32>} : memref<16xf32, #tpu.memory_space<vmem>>, vector<16xf32>,
      %sub3A_306 = arith.constant 1 : i32
      %sub3A_307 = vector.broadcast %sub3A_306 : i32 to vector<16xi32>
      %sub3A_308 = arith.subi %iota3A, %sub3A_307 : vector<16xi32>
      %max3A_309 = arith.constant 0 : i32
      %max3A_310 = vector.broadcast %max3A_309 : i32 to vector<16xi32>
      %max3A_311 = arith.maxsi %sub3A_308, %max3A_310 : vector<16xi32>
      %gather3A_312 = tpu.vector_load_idx %arg21[%max3A_311] : memref<16xf32, #tpu.memory_space<vmem>>[vector<16xi32>], vector<16xf32>,
      %ge3A_313 = arith.constant 1 : i32
      %ge3A_314 = vector.broadcast %ge3A_313 : i32 to vector<16xi32>
      %ge3A_315 = arith.cmpi sge, %iota3A, %ge3A_314 : vector<16xi32>
      %jit3A_316 = arith.constant 0.000000e+00 : f32
      %broadcast_in_dim3A_317 = vector.broadcast %jit3A_316 : f32 to vector<16xf32>
      %select_n3A_318 = arith.select %ge3A_315, %gather3A_312, %broadcast_in_dim3A_317 : vector<16xi1>, vector<16xf32>
      %add3A_319 = arith.addf %div3A_303, %select_n3A_318 : vector<16xf32>
      %swap3A_320 = arith.constant 0 : index
      %swap3A_321 = tpu.vector_load %arg21[%swap3A_320] {strides = array<i32>} : memref<16xf32, #tpu.memory_space<vmem>>, vector<16xf32>,
      tpu.vector_store %arg21[%swap3A_320], %add3A_319 {strides = array<i32>} : memref<16xf32, #tpu.memory_space<vmem>>, vector<16xf32>,
      %sub3A_322 = arith.constant 2 : i32
      %sub3A_323 = vector.broadcast %sub3A_322 : i32 to vector<16xi32>
      %sub3A_324 = arith.subi %iota3A, %sub3A_323 : vector<16xi32>
      %max3A_325 = arith.constant 0 : i32
      %max3A_326 = vector.broadcast %max3A_325 : i32 to vector<16xi32>
      %max3A_327 = arith.maxsi %sub3A_324, %max3A_326 : vector<16xi32>
      %gather3A_328 = tpu.vector_load_idx %arg21[%max3A_327] : memref<16xf32, #tpu.memory_space<vmem>>[vector<16xi32>], vector<16xf32>,
      %ge3A_329 = arith.constant 2 : i32
      %ge3A_330 = vector.broadcast %ge3A_329 : i32 to vector<16xi32>
      %ge3A_331 = arith.cmpi sge, %iota3A, %ge3A_330 : vector<16xi32>
      %jit3A_332 = arith.constant 0.000000e+00 : f32
      %broadcast_in_dim3A_333 = vector.broadcast %jit3A_332 : f32 to vector<16xf32>
      %select_n3A_334 = arith.select %ge3A_331, %gather3A_328, %broadcast_in_dim3A_333 : vector<16xi1>, vector<16xf32>
      %add3A_335 = arith.addf %add3A_319, %select_n3A_334 : vector<16xf32>
      %swap3A_336 = arith.constant 0 : index
      %swap3A_337 = tpu.vector_load %arg21[%swap3A_336] {strides = array<i32>} : memref<16xf32, #tpu.memory_space<vmem>>, vector<16xf32>,
      tpu.vector_store %arg21[%swap3A_336], %add3A_335 {strides = array<i32>} : memref<16xf32, #tpu.memory_space<vmem>>, vector<16xf32>,
      %sub3A_338 = arith.constant 4 : i32
      %sub3A_339 = vector.broadcast %sub3A_338 : i32 to vector<16xi32>
      %sub3A_340 = arith.subi %iota3A, %sub3A_339 : vector<16xi32>
      %max3A_341 = arith.constant 0 : i32
      %max3A_342 = vector.broadcast %max3A_341 : i32 to vector<16xi32>
      %max3A_343 = arith.maxsi %sub3A_340, %max3A_342 : vector<16xi32>
      %gather3A_344 = tpu.vector_load_idx %arg21[%max3A_343] : memref<16xf32, #tpu.memory_space<vmem>>[vector<16xi32>], vector<16xf32>,
      %ge3A_345 = arith.constant 4 : i32
      %ge3A_346 = vector.broadcast %ge3A_345 : i32 to vector<16xi32>
      %ge3A_347 = arith.cmpi sge, %iota3A, %ge3A_346 : vector<16xi32>
      %jit3A_348 = arith.constant 0.000000e+00 : f32
      %broadcast_in_dim3A_349 = vector.broadcast %jit3A_348 : f32 to vector<16xf32>
      %select_n3A_350 = arith.select %ge3A_347, %gather3A_344, %broadcast_in_dim3A_349 : vector<16xi1>, vector<16xf32>
      %add3A_351 = arith.addf %add3A_335, %select_n3A_350 : vector<16xf32>
      %swap3A_352 = arith.constant 0 : index
      %swap3A_353 = tpu.vector_load %arg21[%swap3A_352] {strides = array<i32>} : memref<16xf32, #tpu.memory_space<vmem>>, vector<16xf32>,
      tpu.vector_store %arg21[%swap3A_352], %add3A_351 {strides = array<i32>} : memref<16xf32, #tpu.memory_space<vmem>>, vector<16xf32>,
      %sub3A_354 = arith.constant 8 : i32
      %sub3A_355 = vector.broadcast %sub3A_354 : i32 to vector<16xi32>
      %sub3A_356 = arith.subi %iota3A, %sub3A_355 : vector<16xi32>
      %max3A_357 = arith.constant 0 : i32
      %max3A_358 = vector.broadcast %max3A_357 : i32 to vector<16xi32>
      %max3A_359 = arith.maxsi %sub3A_356, %max3A_358 : vector<16xi32>
      %gather3A_360 = tpu.vector_load_idx %arg21[%max3A_359] : memref<16xf32, #tpu.memory_space<vmem>>[vector<16xi32>], vector<16xf32>,
      %ge3A_361 = arith.constant 8 : i32
      %ge3A_362 = vector.broadcast %ge3A_361 : i32 to vector<16xi32>
      %ge3A_363 = arith.cmpi sge, %iota3A, %ge3A_362 : vector<16xi32>
      %jit3A_364 = arith.constant 0.000000e+00 : f32
      %broadcast_in_dim3A_365 = vector.broadcast %jit3A_364 : f32 to vector<16xf32>
      %select_n3A_366 = arith.select %ge3A_363, %gather3A_360, %broadcast_in_dim3A_365 : vector<16xi1>, vector<16xf32>
      %add3A_367 = arith.addf %add3A_351, %select_n3A_366 : vector<16xf32>
      %add3A_368 = arith.addf %add3A_367, %gather3A_299 : vector<16xf32>
      %swap3A_369 = arith.constant 0 : index
      %swap3A_370 = tpu.vector_load %arg21[%swap3A_369] {strides = array<i32>} : memref<16xf32, #tpu.memory_space<vmem>>, vector<16xf32>,
      tpu.vector_store %arg21[%swap3A_369], %add3A_368 {strides = array<i32>} : memref<16xf32, #tpu.memory_space<vmem>>, vector<16xf32>,
      %broadcast_in_dim3A_371 = arith.constant 15 : i32
      %broadcast_in_dim3A_372 = vector.broadcast %broadcast_in_dim3A_371 : i32 to vector<16xi32>
      %gather3A_373 = tpu.vector_load_idx %arg21[%broadcast_in_dim3A_372] : memref<16xf32, #tpu.memory_space<vmem>>[vector<16xi32>], vector<16xf32>,
      %sub3A_374 = arith.constant 1.000000e+00 : f32
      %sub3A_375 = vector.broadcast %sub3A_374 : f32 to vector<16xf32>
      %sub3A_376 = arith.subf %sub3A_375, %get3A_6 : vector<16xf32>
      %mul3A_377 = arith.mulf %gather3A_373, %sub3A_376 : vector<16xf32>
      %broadcast_in_dim3A_378 = arith.constant 0 : i32
      %broadcast_in_dim3A_379 = vector.broadcast %broadcast_in_dim3A_378 : i32 to vector<16xi32>
      %lt3A = arith.cmpf olt, %add3A_146, %mul3A_377 : vector<16xf32>
      %convert_element_type3A_380 = arith.extui %lt3A : vector<16xi1> to vector<16xi32>
      %add3A_381 = arith.addi %broadcast_in_dim3A_379, %convert_element_type3A_380 : vector<16xi32>
      %lt3A_382 = arith.cmpf olt, %add3A_220, %mul3A_377 : vector<16xf32>
      %convert_element_type3A_383 = arith.extui %lt3A_382 : vector<16xi1> to vector<16xi32>
      %add3A_384 = arith.addi %add3A_381, %convert_element_type3A_383 : vector<16xi32>
      %lt3A_385 = arith.cmpf olt, %add3A_294, %mul3A_377 : vector<16xf32>
      %convert_element_type3A_386 = arith.extui %lt3A_385 : vector<16xi1> to vector<16xi32>
      %add3A_387 = arith.addi %add3A_384, %convert_element_type3A_386 : vector<16xi32>
      %lt3A_388 = arith.cmpf olt, %add3A_368, %mul3A_377 : vector<16xf32>
      %convert_element_type3A_389 = arith.extui %lt3A_388 : vector<16xi1> to vector<16xi32>
      %add3A_390 = arith.addi %add3A_387, %convert_element_type3A_389 : vector<16xi32>
      %swap3A_391 = arith.constant 0 : index
      %swap3A_392 = tpu.vector_load %arg22[%swap3A_391] {strides = array<i32>} : memref<16xi32, #tpu.memory_space<vmem>>, vector<16xi32>,
      tpu.vector_store %arg22[%swap3A_391], %add3A_390 {strides = array<i32>} : memref<16xi32, #tpu.memory_space<vmem>>, vector<16xi32>,
      %xor3A_393 = arith.constant 8 : i32
      %xor3A_394 = vector.broadcast %xor3A_393 : i32 to vector<16xi32>
      %xor3A_395 = arith.xori %iota3A, %xor3A_394 : vector<16xi32>
      %gather3A_396 = tpu.vector_load_idx %arg22[%xor3A_395] : memref<16xi32, #tpu.memory_space<vmem>>[vector<16xi32>], vector<16xi32>,
      %add3A_397 = arith.addi %add3A_390, %gather3A_396 : vector<16xi32>
      %swap3A_398 = arith.constant 0 : index
      %swap3A_399 = tpu.vector_load %arg22[%swap3A_398] {strides = array<i32>} : memref<16xi32, #tpu.memory_space<vmem>>, vector<16xi32>,
      tpu.vector_store %arg22[%swap3A_398], %add3A_397 {strides = array<i32>} : memref<16xi32, #tpu.memory_space<vmem>>, vector<16xi32>,
      %xor3A_400 = arith.constant 4 : i32
      %xor3A_401 = vector.broadcast %xor3A_400 : i32 to vector<16xi32>
      %xor3A_402 = arith.xori %iota3A, %xor3A_401 : vector<16xi32>
      %gather3A_403 = tpu.vector_load_idx %arg22[%xor3A_402] : memref<16xi32, #tpu.memory_space<vmem>>[vector<16xi32>], vector<16xi32>,
      %add3A_404 = arith.addi %add3A_397, %gather3A_403 : vector<16xi32>
      %swap3A_405 = arith.constant 0 : index
      %swap3A_406 = tpu.vector_load %arg22[%swap3A_405] {strides = array<i32>} : memref<16xi32, #tpu.memory_space<vmem>>, vector<16xi32>,
      tpu.vector_store %arg22[%swap3A_405], %add3A_404 {strides = array<i32>} : memref<16xi32, #tpu.memory_space<vmem>>, vector<16xi32>,
      %xor3A_407 = arith.constant 2 : i32
      %xor3A_408 = vector.broadcast %xor3A_407 : i32 to vector<16xi32>
      %xor3A_409 = arith.xori %iota3A, %xor3A_408 : vector<16xi32>
      %gather3A_410 = tpu.vector_load_idx %arg22[%xor3A_409] : memref<16xi32, #tpu.memory_space<vmem>>[vector<16xi32>], vector<16xi32>,
      %add3A_411 = arith.addi %add3A_404, %gather3A_410 : vector<16xi32>
      %swap3A_412 = arith.constant 0 : index
      %swap3A_413 = tpu.vector_load %arg22[%swap3A_412] {strides = array<i32>} : memref<16xi32, #tpu.memory_space<vmem>>, vector<16xi32>,
      tpu.vector_store %arg22[%swap3A_412], %add3A_411 {strides = array<i32>} : memref<16xi32, #tpu.memory_space<vmem>>, vector<16xi32>,
      %xor3A_414 = arith.constant 1 : i32
      %xor3A_415 = vector.broadcast %xor3A_414 : i32 to vector<16xi32>
      %xor3A_416 = arith.xori %iota3A, %xor3A_415 : vector<16xi32>
      %gather3A_417 = tpu.vector_load_idx %arg22[%xor3A_416] : memref<16xi32, #tpu.memory_space<vmem>>[vector<16xi32>], vector<16xi32>,
      %add3A_418 = arith.addi %add3A_411, %gather3A_417 : vector<16xi32>
      %broadcast_in_dim3A_419 = arith.constant 0.000000e+00 : f32
      %broadcast_in_dim3A_420 = vector.broadcast %broadcast_in_dim3A_419 : f32 to vector<16xf32>
      %add3A_421 = arith.constant 0 : i32
      %add3A_422 = vector.broadcast %add3A_421 : i32 to vector<16xi32>
      %add3A_423 = arith.addi %iota3A, %add3A_422 : vector<16xi32>
      %eq3A_424 = arith.cmpi eq, %add3A_423, %add3A_418 : vector<16xi32>
      %get3A_425 = arith.constant 0 : index
      %get3A_426 = tpu.vector_load %arg18[%get3A_425] {strides = array<i32>} : memref<64xf32, #tpu.memory_space<vmem>>, vector<16xf32>,
      %jit3A_427 = arith.constant 0.000000e+00 : f32
      %broadcast_in_dim3A_428 = vector.broadcast %jit3A_427 : f32 to vector<16xf32>
      %select_n3A_429 = arith.select %eq3A_424, %get3A_426, %broadcast_in_dim3A_428 : vector<16xi1>, vector<16xf32>
      %add3A_430 = arith.addf %broadcast_in_dim3A_420, %select_n3A_429 : vector<16xf32>
      %add3A_431 = arith.constant 16 : i32
      %add3A_432 = vector.broadcast %add3A_431 : i32 to vector<16xi32>
      %add3A_433 = arith.addi %iota3A, %add3A_432 : vector<16xi32>
      %eq3A_434 = arith.cmpi eq, %add3A_433, %add3A_418 : vector<16xi32>
      %get3A_435 = arith.constant 16 : index
      %get3A_436 = tpu.vector_load %arg18[%get3A_435] {strides = array<i32>} : memref<64xf32, #tpu.memory_space<vmem>>, vector<16xf32>,
      %jit3A_437 = arith.constant 0.000000e+00 : f32
      %broadcast_in_dim3A_438 = vector.broadcast %jit3A_437 : f32 to vector<16xf32>
      %select_n3A_439 = arith.select %eq3A_434, %get3A_436, %broadcast_in_dim3A_438 : vector<16xi1>, vector<16xf32>
      %add3A_440 = arith.addf %add3A_430, %select_n3A_439 : vector<16xf32>
      %add3A_441 = arith.constant 32 : i32
      %add3A_442 = vector.broadcast %add3A_441 : i32 to vector<16xi32>
      %add3A_443 = arith.addi %iota3A, %add3A_442 : vector<16xi32>
      %eq3A_444 = arith.cmpi eq, %add3A_443, %add3A_418 : vector<16xi32>
      %get3A_445 = arith.constant 32 : index
      %get3A_446 = tpu.vector_load %arg18[%get3A_445] {strides = array<i32>} : memref<64xf32, #tpu.memory_space<vmem>>, vector<16xf32>,
      %jit3A_447 = arith.constant 0.000000e+00 : f32
      %broadcast_in_dim3A_448 = vector.broadcast %jit3A_447 : f32 to vector<16xf32>
      %select_n3A_449 = arith.select %eq3A_444, %get3A_446, %broadcast_in_dim3A_448 : vector<16xi1>, vector<16xf32>
      %add3A_450 = arith.addf %add3A_440, %select_n3A_449 : vector<16xf32>
      %add3A_451 = arith.constant 48 : i32
      %add3A_452 = vector.broadcast %add3A_451 : i32 to vector<16xi32>
      %add3A_453 = arith.addi %iota3A, %add3A_452 : vector<16xi32>
      %eq3A_454 = arith.cmpi eq, %add3A_453, %add3A_418 : vector<16xi32>
      %get3A_455 = arith.constant 48 : index
      %get3A_456 = tpu.vector_load %arg18[%get3A_455] {strides = array<i32>} : memref<64xf32, #tpu.memory_space<vmem>>, vector<16xf32>,
      %jit3A_457 = arith.constant 0.000000e+00 : f32
      %broadcast_in_dim3A_458 = vector.broadcast %jit3A_457 : f32 to vector<16xf32>
      %select_n3A_459 = arith.select %eq3A_454, %get3A_456, %broadcast_in_dim3A_458 : vector<16xi1>, vector<16xf32>
      %add3A_460 = arith.addf %add3A_450, %select_n3A_459 : vector<16xf32>
      %swap3A_461 = arith.constant 0 : index
      %swap3A_462 = tpu.vector_load %arg21[%swap3A_461] {strides = array<i32>} : memref<16xf32, #tpu.memory_space<vmem>>, vector<16xf32>,
      tpu.vector_store %arg21[%swap3A_461], %add3A_460 {strides = array<i32>} : memref<16xf32, #tpu.memory_space<vmem>>, vector<16xf32>,
      %xor3A_463 = arith.constant 8 : i32
      %xor3A_464 = vector.broadcast %xor3A_463 : i32 to vector<16xi32>
      %xor3A_465 = arith.xori %iota3A, %xor3A_464 : vector<16xi32>
      %gather3A_466 = tpu.vector_load_idx %arg21[%xor3A_465] : memref<16xf32, #tpu.memory_space<vmem>>[vector<16xi32>], vector<16xf32>,
      %add3A_467 = arith.addf %add3A_460, %gather3A_466 : vector<16xf32>
      %swap3A_468 = arith.constant 0 : index
      %swap3A_469 = tpu.vector_load %arg21[%swap3A_468] {strides = array<i32>} : memref<16xf32, #tpu.memory_space<vmem>>, vector<16xf32>,
      tpu.vector_store %arg21[%swap3A_468], %add3A_467 {strides = array<i32>} : memref<16xf32, #tpu.memory_space<vmem>>, vector<16xf32>,
      %xor3A_470 = arith.constant 4 : i32
      %xor3A_471 = vector.broadcast %xor3A_470 : i32 to vector<16xi32>
      %xor3A_472 = arith.xori %iota3A, %xor3A_471 : vector<16xi32>
      %gather3A_473 = tpu.vector_load_idx %arg21[%xor3A_472] : memref<16xf32, #tpu.memory_space<vmem>>[vector<16xi32>], vector<16xf32>,
      %add3A_474 = arith.addf %add3A_467, %gather3A_473 : vector<16xf32>
      %swap3A_475 = arith.constant 0 : index
      %swap3A_476 = tpu.vector_load %arg21[%swap3A_475] {strides = array<i32>} : memref<16xf32, #tpu.memory_space<vmem>>, vector<16xf32>,
      tpu.vector_store %arg21[%swap3A_475], %add3A_474 {strides = array<i32>} : memref<16xf32, #tpu.memory_space<vmem>>, vector<16xf32>,
      %xor3A_477 = arith.constant 2 : i32
      %xor3A_478 = vector.broadcast %xor3A_477 : i32 to vector<16xi32>
      %xor3A_479 = arith.xori %iota3A, %xor3A_478 : vector<16xi32>
      %gather3A_480 = tpu.vector_load_idx %arg21[%xor3A_479] : memref<16xf32, #tpu.memory_space<vmem>>[vector<16xi32>], vector<16xf32>,
      %add3A_481 = arith.addf %add3A_474, %gather3A_480 : vector<16xf32>
      %swap3A_482 = arith.constant 0 : index
      %swap3A_483 = tpu.vector_load %arg21[%swap3A_482] {strides = array<i32>} : memref<16xf32, #tpu.memory_space<vmem>>, vector<16xf32>,
      tpu.vector_store %arg21[%swap3A_482], %add3A_481 {strides = array<i32>} : memref<16xf32, #tpu.memory_space<vmem>>, vector<16xf32>,
      %xor3A_484 = arith.constant 1 : i32
      %xor3A_485 = vector.broadcast %xor3A_484 : i32 to vector<16xi32>
      %xor3A_486 = arith.xori %iota3A, %xor3A_485 : vector<16xi32>
      %gather3A_487 = tpu.vector_load_idx %arg21[%xor3A_486] : memref<16xf32, #tpu.memory_space<vmem>>[vector<16xi32>], vector<16xf32>,
      %add3A_488 = arith.addf %add3A_481, %gather3A_487 : vector<16xf32>
      %broadcast_in_dim3A_489 = arith.constant 0xFF800000 : f32
      %broadcast_in_dim3A_490 = vector.broadcast %broadcast_in_dim3A_489 : f32 to vector<16xf32>
      %broadcast_in_dim3A_491 = arith.constant 0.000000e+00 : f32
      %broadcast_in_dim3A_492 = vector.broadcast %broadcast_in_dim3A_491 : f32 to vector<16xf32>
      %broadcast_in_dim3A_493 = arith.constant 0 : i32
      %broadcast_in_dim3A_494 = vector.broadcast %broadcast_in_dim3A_493 : i32 to vector<16xi32>
      %scan3A_495 = arith.constant 0 : i32
      %scan3A_496 = arith.constant 256 : i32
      %scan3A_497 = arith.addi %scan3A_495, %scan3A_496 : i32
      %scan3A_498 = arith.constant 8 : i32
      %scan3A_499:3 = scf.for %scan3A_600 = %scan3A_495 to %scan3A_497 step %scan3A_498 iter_args(%scan3A_601 = %broadcast_in_dim3A_490, %scan3A_602 = %broadcast_in_dim3A_492, %scan3A_603 = %broadcast_in_dim3A_494) -> (vector<16xf32>, vector<16xf32>, vector<16xi32>)  : i32 {
        %mul3A_604 = arith.constant 16 : i32
        %mul3A_605 = arith.muli %scan3A_600, %mul3A_604 : i32
        %get3A_606 = arith.constant 0 : i32
        %get3A_607 = arith.index_cast %get3A_606 : i32 to index
        %get3A_608 = arith.index_cast %mul3A_605 : i32 to index
        %get3A_609 = tpu.vector_load %arg14[%get3A_607, %get3A_608] {strides = array<i32>} : memref<1x4096xf32, #tpu.memory_space<vmem>>, vector<16xf32>,
        %gt3A_610 = arith.constant 0.000000e+00 : f32
        %gt3A_611 = vector.broadcast %gt3A_610 : f32 to vector<16xf32>
        %gt3A_612 = arith.cmpf ogt, %get3A_609, %gt3A_611 : vector<16xf32>
        %get3A_613 = arith.index_cast %mul3A_605 : i32 to index
        %get3A_614 = tpu.vector_load %arg16[%get3A_613] {strides = array<i32>} : memref<4096xi32, #tpu.memory_space<vmem>>, vector<16xi32>,
        %eq3A_615 = arith.cmpi eq, %get3A_614, %add3A_418 : vector<16xi32>
        %and3A_616 = arith.andi %gt3A_612, %eq3A_615 : vector<16xi1>
        %get3A_617 = arith.index_cast %mul3A_605 : i32 to index
        %get3A_618 = tpu.vector_load %arg17[%get3A_617] {strides = array<i32>} : memref<4096xf32, #tpu.memory_space<vmem>>, vector<16xf32>,
        %jit3A_619 = arith.constant 0xFF800000 : f32
        %broadcast_in_dim3A_620 = vector.broadcast %jit3A_619 : f32 to vector<16xf32>
        %select_n3A_621 = arith.select %and3A_616, %get3A_618, %broadcast_in_dim3A_620 : vector<16xi1>, vector<16xf32>
        %gt3A_622 = arith.cmpf ogt, %select_n3A_621, %scan3A_601 : vector<16xf32>
        %select_n3A_623 = arith.select %gt3A_622, %select_n3A_621, %scan3A_601 : vector<16xi1>, vector<16xf32>
        %mul3A_624 = arith.constant 16 : i32
        %mul3A_625 = arith.muli %scan3A_600, %mul3A_624 : i32
        %add3A_626 = vector.broadcast %mul3A_625 : i32 to vector<16xi32>
        %add3A_627 = arith.addi %iota3A, %add3A_626 : vector<16xi32>
        %convert_element_type3A_628 = arith.sitofp %add3A_627 : vector<16xi32> to vector<16xf32>
        %select_n3A_629 = arith.select %gt3A_622, %convert_element_type3A_628, %scan3A_602 : vector<16xi1>, vector<16xf32>
        %convert_element_type3A_630 = arith.extui %and3A_616 : vector<16xi1> to vector<16xi32>
        %add3A_631 = arith.addi %scan3A_603, %convert_element_type3A_630 : vector<16xi32>
        %scan3A_632 = arith.constant 1 : i32
        %scan3A_633 = arith.addi %scan3A_600, %scan3A_632 : i32
        %mul3A_634 = arith.constant 16 : i32
        %mul3A_635 = arith.muli %scan3A_633, %mul3A_634 : i32
        %get3A_636 = arith.constant 0 : i32
        %get3A_637 = arith.index_cast %get3A_636 : i32 to index
        %get3A_638 = arith.index_cast %mul3A_635 : i32 to index
        %get3A_639 = tpu.vector_load %arg14[%get3A_637, %get3A_638] {strides = array<i32>} : memref<1x4096xf32, #tpu.memory_space<vmem>>, vector<16xf32>,
        %gt3A_640 = arith.constant 0.000000e+00 : f32
        %gt3A_641 = vector.broadcast %gt3A_640 : f32 to vector<16xf32>
        %gt3A_642 = arith.cmpf ogt, %get3A_639, %gt3A_641 : vector<16xf32>
        %get3A_643 = arith.index_cast %mul3A_635 : i32 to index
        %get3A_644 = tpu.vector_load %arg16[%get3A_643] {strides = array<i32>} : memref<4096xi32, #tpu.memory_space<vmem>>, vector<16xi32>,
        %eq3A_645 = arith.cmpi eq, %get3A_644, %add3A_418 : vector<16xi32>
        %and3A_646 = arith.andi %gt3A_642, %eq3A_645 : vector<16xi1>
        %get3A_647 = arith.index_cast %mul3A_635 : i32 to index
        %get3A_648 = tpu.vector_load %arg17[%get3A_647] {strides = array<i32>} : memref<4096xf32, #tpu.memory_space<vmem>>, vector<16xf32>,
        %jit3A_649 = arith.constant 0xFF800000 : f32
        %broadcast_in_dim3A_650 = vector.broadcast %jit3A_649 : f32 to vector<16xf32>
        %select_n3A_651 = arith.select %and3A_646, %get3A_648, %broadcast_in_dim3A_650 : vector<16xi1>, vector<16xf32>
        %gt3A_652 = arith.cmpf ogt, %select_n3A_651, %select_n3A_623 : vector<16xf32>
        %select_n3A_653 = arith.select %gt3A_652, %select_n3A_651, %select_n3A_623 : vector<16xi1>, vector<16xf32>
        %mul3A_654 = arith.constant 16 : i32
        %mul3A_655 = arith.muli %scan3A_633, %mul3A_654 : i32
        %add3A_656 = vector.broadcast %mul3A_655 : i32 to vector<16xi32>
        %add3A_657 = arith.addi %iota3A, %add3A_656 : vector<16xi32>
        %convert_element_type3A_658 = arith.sitofp %add3A_657 : vector<16xi32> to vector<16xf32>
        %select_n3A_659 = arith.select %gt3A_652, %convert_element_type3A_658, %select_n3A_629 : vector<16xi1>, vector<16xf32>
        %convert_element_type3A_660 = arith.extui %and3A_646 : vector<16xi1> to vector<16xi32>
        %add3A_661 = arith.addi %add3A_631, %convert_element_type3A_660 : vector<16xi32>
        %scan3A_662 = arith.constant 2 : i32
        %scan3A_663 = arith.addi %scan3A_600, %scan3A_662 : i32
        %mul3A_664 = arith.constant 16 : i32
        %mul3A_665 = arith.muli %scan3A_663, %mul3A_664 : i32
        %get3A_666 = arith.constant 0 : i32
        %get3A_667 = arith.index_cast %get3A_666 : i32 to index
        %get3A_668 = arith.index_cast %mul3A_665 : i32 to index
        %get3A_669 = tpu.vector_load %arg14[%get3A_667, %get3A_668] {strides = array<i32>} : memref<1x4096xf32, #tpu.memory_space<vmem>>, vector<16xf32>,
        %gt3A_670 = arith.constant 0.000000e+00 : f32
        %gt3A_671 = vector.broadcast %gt3A_670 : f32 to vector<16xf32>
        %gt3A_672 = arith.cmpf ogt, %get3A_669, %gt3A_671 : vector<16xf32>
        %get3A_673 = arith.index_cast %mul3A_665 : i32 to index
        %get3A_674 = tpu.vector_load %arg16[%get3A_673] {strides = array<i32>} : memref<4096xi32, #tpu.memory_space<vmem>>, vector<16xi32>,
        %eq3A_675 = arith.cmpi eq, %get3A_674, %add3A_418 : vector<16xi32>
        %and3A_676 = arith.andi %gt3A_672, %eq3A_675 : vector<16xi1>
        %get3A_677 = arith.index_cast %mul3A_665 : i32 to index
        %get3A_678 = tpu.vector_load %arg17[%get3A_677] {strides = array<i32>} : memref<4096xf32, #tpu.memory_space<vmem>>, vector<16xf32>,
        %jit3A_679 = arith.constant 0xFF800000 : f32
        %broadcast_in_dim3A_680 = vector.broadcast %jit3A_679 : f32 to vector<16xf32>
        %select_n3A_681 = arith.select %and3A_676, %get3A_678, %broadcast_in_dim3A_680 : vector<16xi1>, vector<16xf32>
        %gt3A_682 = arith.cmpf ogt, %select_n3A_681, %select_n3A_653 : vector<16xf32>
        %select_n3A_683 = arith.select %gt3A_682, %select_n3A_681, %select_n3A_653 : vector<16xi1>, vector<16xf32>
        %mul3A_684 = arith.constant 16 : i32
        %mul3A_685 = arith.muli %scan3A_663, %mul3A_684 : i32
        %add3A_686 = vector.broadcast %mul3A_685 : i32 to vector<16xi32>
        %add3A_687 = arith.addi %iota3A, %add3A_686 : vector<16xi32>
        %convert_element_type3A_688 = arith.sitofp %add3A_687 : vector<16xi32> to vector<16xf32>
        %select_n3A_689 = arith.select %gt3A_682, %convert_element_type3A_688, %select_n3A_659 : vector<16xi1>, vector<16xf32>
        %convert_element_type3A_690 = arith.extui %and3A_676 : vector<16xi1> to vector<16xi32>
        %add3A_691 = arith.addi %add3A_661, %convert_element_type3A_690 : vector<16xi32>
        %scan3A_692 = arith.constant 3 : i32
        %scan3A_693 = arith.addi %scan3A_600, %scan3A_692 : i32
        %mul3A_694 = arith.constant 16 : i32
        %mul3A_695 = arith.muli %scan3A_693, %mul3A_694 : i32
        %get3A_696 = arith.constant 0 : i32
        %get3A_697 = arith.index_cast %get3A_696 : i32 to index
        %get3A_698 = arith.index_cast %mul3A_695 : i32 to index
        %get3A_699 = tpu.vector_load %arg14[%get3A_697, %get3A_698] {strides = array<i32>} : memref<1x4096xf32, #tpu.memory_space<vmem>>, vector<16xf32>,
        %gt3A_700 = arith.constant 0.000000e+00 : f32
        %gt3A_701 = vector.broadcast %gt3A_700 : f32 to vector<16xf32>
        %gt3A_702 = arith.cmpf ogt, %get3A_699, %gt3A_701 : vector<16xf32>
        %get3A_703 = arith.index_cast %mul3A_695 : i32 to index
        %get3A_704 = tpu.vector_load %arg16[%get3A_703] {strides = array<i32>} : memref<4096xi32, #tpu.memory_space<vmem>>, vector<16xi32>,
        %eq3A_705 = arith.cmpi eq, %get3A_704, %add3A_418 : vector<16xi32>
        %and3A_706 = arith.andi %gt3A_702, %eq3A_705 : vector<16xi1>
        %get3A_707 = arith.index_cast %mul3A_695 : i32 to index
        %get3A_708 = tpu.vector_load %arg17[%get3A_707] {strides = array<i32>} : memref<4096xf32, #tpu.memory_space<vmem>>, vector<16xf32>,
        %jit3A_709 = arith.constant 0xFF800000 : f32
        %broadcast_in_dim3A_710 = vector.broadcast %jit3A_709 : f32 to vector<16xf32>
        %select_n3A_711 = arith.select %and3A_706, %get3A_708, %broadcast_in_dim3A_710 : vector<16xi1>, vector<16xf32>
        %gt3A_712 = arith.cmpf ogt, %select_n3A_711, %select_n3A_683 : vector<16xf32>
        %select_n3A_713 = arith.select %gt3A_712, %select_n3A_711, %select_n3A_683 : vector<16xi1>, vector<16xf32>
        %mul3A_714 = arith.constant 16 : i32
        %mul3A_715 = arith.muli %scan3A_693, %mul3A_714 : i32
        %add3A_716 = vector.broadcast %mul3A_715 : i32 to vector<16xi32>
        %add3A_717 = arith.addi %iota3A, %add3A_716 : vector<16xi32>
        %convert_element_type3A_718 = arith.sitofp %add3A_717 : vector<16xi32> to vector<16xf32>
        %select_n3A_719 = arith.select %gt3A_712, %convert_element_type3A_718, %select_n3A_689 : vector<16xi1>, vector<16xf32>
        %convert_element_type3A_720 = arith.extui %and3A_706 : vector<16xi1> to vector<16xi32>
        %add3A_721 = arith.addi %add3A_691, %convert_element_type3A_720 : vector<16xi32>
        %scan3A_722 = arith.constant 4 : i32
        %scan3A_723 = arith.addi %scan3A_600, %scan3A_722 : i32
        %mul3A_724 = arith.constant 16 : i32
        %mul3A_725 = arith.muli %scan3A_723, %mul3A_724 : i32
        %get3A_726 = arith.constant 0 : i32
        %get3A_727 = arith.index_cast %get3A_726 : i32 to index
        %get3A_728 = arith.index_cast %mul3A_725 : i32 to index
        %get3A_729 = tpu.vector_load %arg14[%get3A_727, %get3A_728] {strides = array<i32>} : memref<1x4096xf32, #tpu.memory_space<vmem>>, vector<16xf32>,
        %gt3A_730 = arith.constant 0.000000e+00 : f32
        %gt3A_731 = vector.broadcast %gt3A_730 : f32 to vector<16xf32>
        %gt3A_732 = arith.cmpf ogt, %get3A_729, %gt3A_731 : vector<16xf32>
        %get3A_733 = arith.index_cast %mul3A_725 : i32 to index
        %get3A_734 = tpu.vector_load %arg16[%get3A_733] {strides = array<i32>} : memref<4096xi32, #tpu.memory_space<vmem>>, vector<16xi32>,
        %eq3A_735 = arith.cmpi eq, %get3A_734, %add3A_418 : vector<16xi32>
        %and3A_736 = arith.andi %gt3A_732, %eq3A_735 : vector<16xi1>
        %get3A_737 = arith.index_cast %mul3A_725 : i32 to index
        %get3A_738 = tpu.vector_load %arg17[%get3A_737] {strides = array<i32>} : memref<4096xf32, #tpu.memory_space<vmem>>, vector<16xf32>,
        %jit3A_739 = arith.constant 0xFF800000 : f32
        %broadcast_in_dim3A_740 = vector.broadcast %jit3A_739 : f32 to vector<16xf32>
        %select_n3A_741 = arith.select %and3A_736, %get3A_738, %broadcast_in_dim3A_740 : vector<16xi1>, vector<16xf32>
        %gt3A_742 = arith.cmpf ogt, %select_n3A_741, %select_n3A_713 : vector<16xf32>
        %select_n3A_743 = arith.select %gt3A_742, %select_n3A_741, %select_n3A_713 : vector<16xi1>, vector<16xf32>
        %mul3A_744 = arith.constant 16 : i32
        %mul3A_745 = arith.muli %scan3A_723, %mul3A_744 : i32
        %add3A_746 = vector.broadcast %mul3A_745 : i32 to vector<16xi32>
        %add3A_747 = arith.addi %iota3A, %add3A_746 : vector<16xi32>
        %convert_element_type3A_748 = arith.sitofp %add3A_747 : vector<16xi32> to vector<16xf32>
        %select_n3A_749 = arith.select %gt3A_742, %convert_element_type3A_748, %select_n3A_719 : vector<16xi1>, vector<16xf32>
        %convert_element_type3A_750 = arith.extui %and3A_736 : vector<16xi1> to vector<16xi32>
        %add3A_751 = arith.addi %add3A_721, %convert_element_type3A_750 : vector<16xi32>
        %scan3A_752 = arith.constant 5 : i32
        %scan3A_753 = arith.addi %scan3A_600, %scan3A_752 : i32
        %mul3A_754 = arith.constant 16 : i32
        %mul3A_755 = arith.muli %scan3A_753, %mul3A_754 : i32
        %get3A_756 = arith.constant 0 : i32
        %get3A_757 = arith.index_cast %get3A_756 : i32 to index
        %get3A_758 = arith.index_cast %mul3A_755 : i32 to index
        %get3A_759 = tpu.vector_load %arg14[%get3A_757, %get3A_758] {strides = array<i32>} : memref<1x4096xf32, #tpu.memory_space<vmem>>, vector<16xf32>,
        %gt3A_760 = arith.constant 0.000000e+00 : f32
        %gt3A_761 = vector.broadcast %gt3A_760 : f32 to vector<16xf32>
        %gt3A_762 = arith.cmpf ogt, %get3A_759, %gt3A_761 : vector<16xf32>
        %get3A_763 = arith.index_cast %mul3A_755 : i32 to index
        %get3A_764 = tpu.vector_load %arg16[%get3A_763] {strides = array<i32>} : memref<4096xi32, #tpu.memory_space<vmem>>, vector<16xi32>,
        %eq3A_765 = arith.cmpi eq, %get3A_764, %add3A_418 : vector<16xi32>
        %and3A_766 = arith.andi %gt3A_762, %eq3A_765 : vector<16xi1>
        %get3A_767 = arith.index_cast %mul3A_755 : i32 to index
        %get3A_768 = tpu.vector_load %arg17[%get3A_767] {strides = array<i32>} : memref<4096xf32, #tpu.memory_space<vmem>>, vector<16xf32>,
        %jit3A_769 = arith.constant 0xFF800000 : f32
        %broadcast_in_dim3A_770 = vector.broadcast %jit3A_769 : f32 to vector<16xf32>
        %select_n3A_771 = arith.select %and3A_766, %get3A_768, %broadcast_in_dim3A_770 : vector<16xi1>, vector<16xf32>
        %gt3A_772 = arith.cmpf ogt, %select_n3A_771, %select_n3A_743 : vector<16xf32>
        %select_n3A_773 = arith.select %gt3A_772, %select_n3A_771, %select_n3A_743 : vector<16xi1>, vector<16xf32>
        %mul3A_774 = arith.constant 16 : i32
        %mul3A_775 = arith.muli %scan3A_753, %mul3A_774 : i32
        %add3A_776 = vector.broadcast %mul3A_775 : i32 to vector<16xi32>
        %add3A_777 = arith.addi %iota3A, %add3A_776 : vector<16xi32>
        %convert_element_type3A_778 = arith.sitofp %add3A_777 : vector<16xi32> to vector<16xf32>
        %select_n3A_779 = arith.select %gt3A_772, %convert_element_type3A_778, %select_n3A_749 : vector<16xi1>, vector<16xf32>
        %convert_element_type3A_780 = arith.extui %and3A_766 : vector<16xi1> to vector<16xi32>
        %add3A_781 = arith.addi %add3A_751, %convert_element_type3A_780 : vector<16xi32>
        %scan3A_782 = arith.constant 6 : i32
        %scan3A_783 = arith.addi %scan3A_600, %scan3A_782 : i32
        %mul3A_784 = arith.constant 16 : i32
        %mul3A_785 = arith.muli %scan3A_783, %mul3A_784 : i32
        %get3A_786 = arith.constant 0 : i32
        %get3A_787 = arith.index_cast %get3A_786 : i32 to index
        %get3A_788 = arith.index_cast %mul3A_785 : i32 to index
        %get3A_789 = tpu.vector_load %arg14[%get3A_787, %get3A_788] {strides = array<i32>} : memref<1x4096xf32, #tpu.memory_space<vmem>>, vector<16xf32>,
        %gt3A_790 = arith.constant 0.000000e+00 : f32
        %gt3A_791 = vector.broadcast %gt3A_790 : f32 to vector<16xf32>
        %gt3A_792 = arith.cmpf ogt, %get3A_789, %gt3A_791 : vector<16xf32>
        %get3A_793 = arith.index_cast %mul3A_785 : i32 to index
        %get3A_794 = tpu.vector_load %arg16[%get3A_793] {strides = array<i32>} : memref<4096xi32, #tpu.memory_space<vmem>>, vector<16xi32>,
        %eq3A_795 = arith.cmpi eq, %get3A_794, %add3A_418 : vector<16xi32>
        %and3A_796 = arith.andi %gt3A_792, %eq3A_795 : vector<16xi1>
        %get3A_797 = arith.index_cast %mul3A_785 : i32 to index
        %get3A_798 = tpu.vector_load %arg17[%get3A_797] {strides = array<i32>} : memref<4096xf32, #tpu.memory_space<vmem>>, vector<16xf32>,
        %jit3A_799 = arith.constant 0xFF800000 : f32
        %broadcast_in_dim3A_800 = vector.broadcast %jit3A_799 : f32 to vector<16xf32>
        %select_n3A_801 = arith.select %and3A_796, %get3A_798, %broadcast_in_dim3A_800 : vector<16xi1>, vector<16xf32>
        %gt3A_802 = arith.cmpf ogt, %select_n3A_801, %select_n3A_773 : vector<16xf32>
        %select_n3A_803 = arith.select %gt3A_802, %select_n3A_801, %select_n3A_773 : vector<16xi1>, vector<16xf32>
        %mul3A_804 = arith.constant 16 : i32
        %mul3A_805 = arith.muli %scan3A_783, %mul3A_804 : i32
        %add3A_806 = vector.broadcast %mul3A_805 : i32 to vector<16xi32>
        %add3A_807 = arith.addi %iota3A, %add3A_806 : vector<16xi32>
        %convert_element_type3A_808 = arith.sitofp %add3A_807 : vector<16xi32> to vector<16xf32>
        %select_n3A_809 = arith.select %gt3A_802, %convert_element_type3A_808, %select_n3A_779 : vector<16xi1>, vector<16xf32>
        %convert_element_type3A_810 = arith.extui %and3A_796 : vector<16xi1> to vector<16xi32>
        %add3A_811 = arith.addi %add3A_781, %convert_element_type3A_810 : vector<16xi32>
        %scan3A_812 = arith.constant 7 : i32
        %scan3A_813 = arith.addi %scan3A_600, %scan3A_812 : i32
        %mul3A_814 = arith.constant 16 : i32
        %mul3A_815 = arith.muli %scan3A_813, %mul3A_814 : i32
        %get3A_816 = arith.constant 0 : i32
        %get3A_817 = arith.index_cast %get3A_816 : i32 to index
        %get3A_818 = arith.index_cast %mul3A_815 : i32 to index
        %get3A_819 = tpu.vector_load %arg14[%get3A_817, %get3A_818] {strides = array<i32>} : memref<1x4096xf32, #tpu.memory_space<vmem>>, vector<16xf32>,
        %gt3A_820 = arith.constant 0.000000e+00 : f32
        %gt3A_821 = vector.broadcast %gt3A_820 : f32 to vector<16xf32>
        %gt3A_822 = arith.cmpf ogt, %get3A_819, %gt3A_821 : vector<16xf32>
        %get3A_823 = arith.index_cast %mul3A_815 : i32 to index
        %get3A_824 = tpu.vector_load %arg16[%get3A_823] {strides = array<i32>} : memref<4096xi32, #tpu.memory_space<vmem>>, vector<16xi32>,
        %eq3A_825 = arith.cmpi eq, %get3A_824, %add3A_418 : vector<16xi32>
        %and3A_826 = arith.andi %gt3A_822, %eq3A_825 : vector<16xi1>
        %get3A_827 = arith.index_cast %mul3A_815 : i32 to index
        %get3A_828 = tpu.vector_load %arg17[%get3A_827] {strides = array<i32>} : memref<4096xf32, #tpu.memory_space<vmem>>, vector<16xf32>,
        %jit3A_829 = arith.constant 0xFF800000 : f32
        %broadcast_in_dim3A_830 = vector.broadcast %jit3A_829 : f32 to vector<16xf32>
        %select_n3A_831 = arith.select %and3A_826, %get3A_828, %broadcast_in_dim3A_830 : vector<16xi1>, vector<16xf32>
        %gt3A_832 = arith.cmpf ogt, %select_n3A_831, %select_n3A_803 : vector<16xf32>
        %select_n3A_833 = arith.select %gt3A_832, %select_n3A_831, %select_n3A_803 : vector<16xi1>, vector<16xf32>
        %mul3A_834 = arith.constant 16 : i32
        %mul3A_835 = arith.muli %scan3A_813, %mul3A_834 : i32
        %add3A_836 = vector.broadcast %mul3A_835 : i32 to vector<16xi32>
        %add3A_837 = arith.addi %iota3A, %add3A_836 : vector<16xi32>
        %convert_element_type3A_838 = arith.sitofp %add3A_837 : vector<16xi32> to vector<16xf32>
        %select_n3A_839 = arith.select %gt3A_832, %convert_element_type3A_838, %select_n3A_809 : vector<16xi1>, vector<16xf32>
        %convert_element_type3A_840 = arith.extui %and3A_826 : vector<16xi1> to vector<16xi32>
        %add3A_841 = arith.addi %add3A_811, %convert_element_type3A_840 : vector<16xi32>
        scf.yield %select_n3A_833, %select_n3A_839, %add3A_841 : vector<16xf32>, vector<16xf32>, vector<16xi32>
      }
      %scan3A_500 = arith.constant 256 : i32
      %swap3A_501 = arith.constant 0 : index
      %swap3A_502 = tpu.vector_load %arg21[%swap3A_501] {strides = array<i32>} : memref<16xf32, #tpu.memory_space<vmem>>, vector<16xf32>,
      tpu.vector_store %arg21[%swap3A_501], %scan3A_499#0 {strides = array<i32>} : memref<16xf32, #tpu.memory_space<vmem>>, vector<16xf32>,
      %xor3A_503 = arith.constant 8 : i32
      %xor3A_504 = vector.broadcast %xor3A_503 : i32 to vector<16xi32>
      %xor3A_505 = arith.xori %iota3A, %xor3A_504 : vector<16xi32>
      %gather3A_506 = tpu.vector_load_idx %arg21[%xor3A_505] : memref<16xf32, #tpu.memory_space<vmem>>[vector<16xi32>], vector<16xf32>,
      %max3A_507 = arith.maximumf %scan3A_499#0, %gather3A_506 : vector<16xf32>
      %swap3A_508 = arith.constant 0 : index
      %swap3A_509 = tpu.vector_load %arg21[%swap3A_508] {strides = array<i32>} : memref<16xf32, #tpu.memory_space<vmem>>, vector<16xf32>,
      tpu.vector_store %arg21[%swap3A_508], %max3A_507 {strides = array<i32>} : memref<16xf32, #tpu.memory_space<vmem>>, vector<16xf32>,
      %xor3A_510 = arith.constant 4 : i32
      %xor3A_511 = vector.broadcast %xor3A_510 : i32 to vector<16xi32>
      %xor3A_512 = arith.xori %iota3A, %xor3A_511 : vector<16xi32>
      %gather3A_513 = tpu.vector_load_idx %arg21[%xor3A_512] : memref<16xf32, #tpu.memory_space<vmem>>[vector<16xi32>], vector<16xf32>,
      %max3A_514 = arith.maximumf %max3A_507, %gather3A_513 : vector<16xf32>
      %swap3A_515 = arith.constant 0 : index
      %swap3A_516 = tpu.vector_load %arg21[%swap3A_515] {strides = array<i32>} : memref<16xf32, #tpu.memory_space<vmem>>, vector<16xf32>,
      tpu.vector_store %arg21[%swap3A_515], %max3A_514 {strides = array<i32>} : memref<16xf32, #tpu.memory_space<vmem>>, vector<16xf32>,
      %xor3A_517 = arith.constant 2 : i32
      %xor3A_518 = vector.broadcast %xor3A_517 : i32 to vector<16xi32>
      %xor3A_519 = arith.xori %iota3A, %xor3A_518 : vector<16xi32>
      %gather3A_520 = tpu.vector_load_idx %arg21[%xor3A_519] : memref<16xf32, #tpu.memory_space<vmem>>[vector<16xi32>], vector<16xf32>,
      %max3A_521 = arith.maximumf %max3A_514, %gather3A_520 : vector<16xf32>
      %swap3A_522 = arith.constant 0 : index
      %swap3A_523 = tpu.vector_load %arg21[%swap3A_522] {strides = array<i32>} : memref<16xf32, #tpu.memory_space<vmem>>, vector<16xf32>,
      tpu.vector_store %arg21[%swap3A_522], %max3A_521 {strides = array<i32>} : memref<16xf32, #tpu.memory_space<vmem>>, vector<16xf32>,
      %xor3A_524 = arith.constant 1 : i32
      %xor3A_525 = vector.broadcast %xor3A_524 : i32 to vector<16xi32>
      %xor3A_526 = arith.xori %iota3A, %xor3A_525 : vector<16xi32>
      %gather3A_527 = tpu.vector_load_idx %arg21[%xor3A_526] : memref<16xf32, #tpu.memory_space<vmem>>[vector<16xi32>], vector<16xf32>,
      %max3A_528 = arith.maximumf %max3A_521, %gather3A_527 : vector<16xf32>
      %eq3A_529 = arith.cmpf oeq, %scan3A_499#0, %max3A_528 : vector<16xf32>
      %jit3A_530 = arith.constant 4.096000e+03 : f32
      %broadcast_in_dim3A_531 = vector.broadcast %jit3A_530 : f32 to vector<16xf32>
      %select_n3A_532 = arith.select %eq3A_529, %scan3A_499#1, %broadcast_in_dim3A_531 : vector<16xi1>, vector<16xf32>
      %swap3A_533 = arith.constant 0 : index
      %swap3A_534 = tpu.vector_load %arg21[%swap3A_533] {strides = array<i32>} : memref<16xf32, #tpu.memory_space<vmem>>, vector<16xf32>,
      tpu.vector_store %arg21[%swap3A_533], %select_n3A_532 {strides = array<i32>} : memref<16xf32, #tpu.memory_space<vmem>>, vector<16xf32>,
      %xor3A_535 = arith.constant 8 : i32
      %xor3A_536 = vector.broadcast %xor3A_535 : i32 to vector<16xi32>
      %xor3A_537 = arith.xori %iota3A, %xor3A_536 : vector<16xi32>
      %gather3A_538 = tpu.vector_load_idx %arg21[%xor3A_537] : memref<16xf32, #tpu.memory_space<vmem>>[vector<16xi32>], vector<16xf32>,
      %min3A = arith.minimumf %select_n3A_532, %gather3A_538 : vector<16xf32>
      %swap3A_539 = arith.constant 0 : index
      %swap3A_540 = tpu.vector_load %arg21[%swap3A_539] {strides = array<i32>} : memref<16xf32, #tpu.memory_space<vmem>>, vector<16xf32>,
      tpu.vector_store %arg21[%swap3A_539], %min3A {strides = array<i32>} : memref<16xf32, #tpu.memory_space<vmem>>, vector<16xf32>,
      %xor3A_541 = arith.constant 4 : i32
      %xor3A_542 = vector.broadcast %xor3A_541 : i32 to vector<16xi32>
      %xor3A_543 = arith.xori %iota3A, %xor3A_542 : vector<16xi32>
      %gather3A_544 = tpu.vector_load_idx %arg21[%xor3A_543] : memref<16xf32, #tpu.memory_space<vmem>>[vector<16xi32>], vector<16xf32>,
      %min3A_545 = arith.minimumf %min3A, %gather3A_544 : vector<16xf32>
      %swap3A_546 = arith.constant 0 : index
      %swap3A_547 = tpu.vector_load %arg21[%swap3A_546] {strides = array<i32>} : memref<16xf32, #tpu.memory_space<vmem>>, vector<16xf32>,
      tpu.vector_store %arg21[%swap3A_546], %min3A_545 {strides = array<i32>} : memref<16xf32, #tpu.memory_space<vmem>>, vector<16xf32>,
      %xor3A_548 = arith.constant 2 : i32
      %xor3A_549 = vector.broadcast %xor3A_548 : i32 to vector<16xi32>
      %xor3A_550 = arith.xori %iota3A, %xor3A_549 : vector<16xi32>
      %gather3A_551 = tpu.vector_load_idx %arg21[%xor3A_550] : memref<16xf32, #tpu.memory_space<vmem>>[vector<16xi32>], vector<16xf32>,
      %min3A_552 = arith.minimumf %min3A_545, %gather3A_551 : vector<16xf32>
      %swap3A_553 = arith.constant 0 : index
      %swap3A_554 = tpu.vector_load %arg21[%swap3A_553] {strides = array<i32>} : memref<16xf32, #tpu.memory_space<vmem>>, vector<16xf32>,
      tpu.vector_store %arg21[%swap3A_553], %min3A_552 {strides = array<i32>} : memref<16xf32, #tpu.memory_space<vmem>>, vector<16xf32>,
      %xor3A_555 = arith.constant 1 : i32
      %xor3A_556 = vector.broadcast %xor3A_555 : i32 to vector<16xi32>
      %xor3A_557 = arith.xori %iota3A, %xor3A_556 : vector<16xi32>
      %gather3A_558 = tpu.vector_load_idx %arg21[%xor3A_557] : memref<16xf32, #tpu.memory_space<vmem>>[vector<16xi32>], vector<16xf32>,
      %min3A_559 = arith.minimumf %min3A_552, %gather3A_558 : vector<16xf32>
      %swap3A_560 = arith.constant 0 : index
      %swap3A_561 = tpu.vector_load %arg22[%swap3A_560] {strides = array<i32>} : memref<16xi32, #tpu.memory_space<vmem>>, vector<16xi32>,
      tpu.vector_store %arg22[%swap3A_560], %scan3A_499#2 {strides = array<i32>} : memref<16xi32, #tpu.memory_space<vmem>>, vector<16xi32>,
      %xor3A_562 = arith.constant 8 : i32
      %xor3A_563 = vector.broadcast %xor3A_562 : i32 to vector<16xi32>
      %xor3A_564 = arith.xori %iota3A, %xor3A_563 : vector<16xi32>
      %gather3A_565 = tpu.vector_load_idx %arg22[%xor3A_564] : memref<16xi32, #tpu.memory_space<vmem>>[vector<16xi32>], vector<16xi32>,
      %add3A_566 = arith.addi %scan3A_499#2, %gather3A_565 : vector<16xi32>
      %swap3A_567 = arith.constant 0 : index
      %swap3A_568 = tpu.vector_load %arg22[%swap3A_567] {strides = array<i32>} : memref<16xi32, #tpu.memory_space<vmem>>, vector<16xi32>,
      tpu.vector_store %arg22[%swap3A_567], %add3A_566 {strides = array<i32>} : memref<16xi32, #tpu.memory_space<vmem>>, vector<16xi32>,
      %xor3A_569 = arith.constant 4 : i32
      %xor3A_570 = vector.broadcast %xor3A_569 : i32 to vector<16xi32>
      %xor3A_571 = arith.xori %iota3A, %xor3A_570 : vector<16xi32>
      %gather3A_572 = tpu.vector_load_idx %arg22[%xor3A_571] : memref<16xi32, #tpu.memory_space<vmem>>[vector<16xi32>], vector<16xi32>,
      %add3A_573 = arith.addi %add3A_566, %gather3A_572 : vector<16xi32>
      %swap3A_574 = arith.constant 0 : index
      %swap3A_575 = tpu.vector_load %arg22[%swap3A_574] {strides = array<i32>} : memref<16xi32, #tpu.memory_space<vmem>>, vector<16xi32>,
      tpu.vector_store %arg22[%swap3A_574], %add3A_573 {strides = array<i32>} : memref<16xi32, #tpu.memory_space<vmem>>, vector<16xi32>,
      %xor3A_576 = arith.constant 2 : i32
      %xor3A_577 = vector.broadcast %xor3A_576 : i32 to vector<16xi32>
      %xor3A_578 = arith.xori %iota3A, %xor3A_577 : vector<16xi32>
      %gather3A_579 = tpu.vector_load_idx %arg22[%xor3A_578] : memref<16xi32, #tpu.memory_space<vmem>>[vector<16xi32>], vector<16xi32>,
      %add3A_580 = arith.addi %add3A_573, %gather3A_579 : vector<16xi32>
      %swap3A_581 = arith.constant 0 : index
      %swap3A_582 = tpu.vector_load %arg22[%swap3A_581] {strides = array<i32>} : memref<16xi32, #tpu.memory_space<vmem>>, vector<16xi32>,
      tpu.vector_store %arg22[%swap3A_581], %add3A_580 {strides = array<i32>} : memref<16xi32, #tpu.memory_space<vmem>>, vector<16xi32>,
      %xor3A_583 = arith.constant 1 : i32
      %xor3A_584 = vector.broadcast %xor3A_583 : i32 to vector<16xi32>
      %xor3A_585 = arith.xori %iota3A, %xor3A_584 : vector<16xi32>
      %gather3A_586 = tpu.vector_load_idx %arg22[%xor3A_585] : memref<16xi32, #tpu.memory_space<vmem>>[vector<16xi32>], vector<16xi32>,
      %add3A_587 = arith.addi %add3A_580, %gather3A_586 : vector<16xi32>
      %gt3A = arith.constant 0 : i32
      %gt3A_588 = vector.broadcast %gt3A : i32 to vector<16xi32>
      %gt3A_589 = arith.cmpi sgt, %add3A_587, %gt3A_588 : vector<16xi32>
      %convert_element_type3A_590 = arith.fptosi %min3A_559 : vector<16xf32> to vector<16xi32>
      %get3A_591 = arith.constant 0 : index
      %get3A_592 = tpu.vector_load %arg19[%get3A_591] {strides = array<i32>} : memref<16xi32, #tpu.memory_space<vmem>>, vector<16xi32>,
      %select_n3A_593 = arith.select %gt3A_589, %convert_element_type3A_590, %get3A_592 : vector<16xi1>, vector<16xi32>
      %swap3A_594 = arith.constant 0 : index
      %swap3A_595 = tpu.vector_load %arg23[%swap3A_594] {strides = array<i32>} : memref<16xi32, #tpu.memory_space<vmem>>, vector<16xi32>,
      tpu.vector_store %arg23[%swap3A_594], %add3A_418 {strides = array<i32>} : memref<16xi32, #tpu.memory_space<vmem>>, vector<16xi32>,
      %swap3A_596 = arith.constant 0 : index
      %swap3A_597 = tpu.vector_load %arg24[%swap3A_596] {strides = array<i32>} : memref<16xi32, #tpu.memory_space<vmem>>, vector<16xi32>,
      tpu.vector_store %arg24[%swap3A_596], %select_n3A_593 {strides = array<i32>} : memref<16xi32, #tpu.memory_space<vmem>>, vector<16xi32>,
      %swap3A_598 = arith.constant 0 : index
      %swap3A_599 = tpu.vector_load %arg25[%swap3A_598] {strides = array<i32>} : memref<16xf32, #tpu.memory_space<vmem>>, vector<16xf32>,
      tpu.vector_store %arg25[%swap3A_598], %add3A_488 {strides = array<i32>} : memref<16xf32, #tpu.memory_space<vmem>>, vector<16xf32>,
      "tpu.region"() ({
        %run_scoped3A = tpu.sem_alloc : memref<!tpu.dma_semaphore, #tpu.memory_space<semaphore_mem>>
        tpu.enqueue_dma source(%arg23 : memref<16xi32, #tpu.memory_space<vmem>>) target(%arg10 : memref<16xi32, #tpu.memory_space<hbm>>) target_semaphore(%run_scoped3A : memref<!tpu.dma_semaphore, #tpu.memory_space<semaphore_mem>>)
        tpu.wait_dma2 semaphore(%run_scoped3A : memref<!tpu.dma_semaphore, #tpu.memory_space<semaphore_mem>>) src(%arg23 : memref<16xi32, #tpu.memory_space<vmem>>) dst(%arg10 : memref<16xi32, #tpu.memory_space<hbm>>)
        tpu.yield
      }) : () -> ()
      "tpu.region"() ({
        %run_scoped3A = tpu.sem_alloc : memref<!tpu.dma_semaphore, #tpu.memory_space<semaphore_mem>>
        tpu.enqueue_dma source(%arg24 : memref<16xi32, #tpu.memory_space<vmem>>) target(%arg11 : memref<16xi32, #tpu.memory_space<hbm>>) target_semaphore(%run_scoped3A : memref<!tpu.dma_semaphore, #tpu.memory_space<semaphore_mem>>)
        tpu.wait_dma2 semaphore(%run_scoped3A : memref<!tpu.dma_semaphore, #tpu.memory_space<semaphore_mem>>) src(%arg24 : memref<16xi32, #tpu.memory_space<vmem>>) dst(%arg11 : memref<16xi32, #tpu.memory_space<hbm>>)
        tpu.yield
      }) : () -> ()
      "tpu.region"() ({
        %run_scoped3A = tpu.sem_alloc : memref<!tpu.dma_semaphore, #tpu.memory_space<semaphore_mem>>
        tpu.enqueue_dma source(%arg25 : memref<16xf32, #tpu.memory_space<vmem>>) target(%arg12 : memref<16xf32, #tpu.memory_space<hbm>>) target_semaphore(%run_scoped3A : memref<!tpu.dma_semaphore, #tpu.memory_space<semaphore_mem>>)
        tpu.wait_dma2 semaphore(%run_scoped3A : memref<!tpu.dma_semaphore, #tpu.memory_space<semaphore_mem>>) src(%arg25 : memref<16xf32, #tpu.memory_space<vmem>>) dst(%arg12 : memref<16xf32, #tpu.memory_space<hbm>>)
        tpu.yield
      }) : () -> ()
    } else {
    }
    return
  }
}

module attributes {stable_mosaic.version = 14 : i64} {
  func.func @_tc_state(%arg0: i32, %arg1: memref<1xi32, #tpu.memory_space<smem>>, %arg2: memref<1x64xf32, #tpu.memory_space<vmem>>, %arg3: memref<64x2048xf32, #tpu.memory_space<vmem>>, %arg4: memref<8x2048xf32, #tpu.memory_space<vmem>>, %arg5: memref<1024x1024xf32, #tpu.memory_space<vmem>>, %arg6: memref<1024x1024xf32, #tpu.memory_space<vmem>>, %arg7: memref<1x1024xf32, #tpu.memory_space<vmem>>, %arg8: memref<4x1024xf32, #tpu.memory_space<vmem>>) attributes {dimension_semantics = [#tpu.dimension_semantics<arbitrary>], iteration_bounds = array<i64: 2>, scalar_prefetch = 1 : i64, scratch_operands = 1 : i64, tpu.core_type = #tpu.core_type<tc>, window_params = [{pipeline_mode = #tpu.pipeline_mode<synchronous>, transform_indices = @transform_0, window_bounds = array<i64: 1, 64>}, {pipeline_mode = #tpu.pipeline_mode<synchronous>, transform_indices = @transform_1, window_bounds = array<i64: 64, 2048>}, {transform_indices = @transform_2, window_bounds = array<i64: 8, 2048>}, {transform_indices = @transform_3, window_bounds = array<i64: 1024, 1024>}, {transform_indices = @transform_4, window_bounds = array<i64: 1024, 1024>}, {pipeline_mode = #tpu.pipeline_mode<synchronous>, transform_indices = @transform_5, window_bounds = array<i64: 1, 1024>}]} {
    %eq3A = arith.constant 0 : i32
    %eq3A_0 = arith.cmpi eq, %arg0, %eq3A : i32
    %convert_element_type3A = arith.extui %eq3A_0 : i1 to i32
    %cond3A = arith.constant 0 : i32
    %cond3A_1 = arith.cmpi ne, %convert_element_type3A, %cond3A : i32
    scf.if %cond3A_1 {
      %get3A_27 = arith.constant 0 : index
      %get3A_28 = arith.constant 0 : index
      %get3A_29 = vector.load %arg2[%get3A_27, %get3A_28] : memref<1x64xf32, #tpu.memory_space<vmem>>, vector<1x64xf32>
      %get3A_30 = arith.constant 0 : index
      %get3A_31 = arith.constant 0 : index
      %get3A_32 = vector.load %arg3[%get3A_30, %get3A_31] : memref<64x2048xf32, #tpu.memory_space<vmem>>, vector<64x1024xf32>
      %dot_general3A_33 = arith.constant dense<0.000000e+00> : vector<1x1024xf32>
      %dot_general3A_34 = tpu.matmul %get3A_29, %get3A_32, %dot_general3A_33 {dimension_numbers = #tpu.dot_dimension_numbers<[1], [0], [0], [1], [0, 0, 1, 1], [], []>, transpose_lhs_hint = false} : vector<1x64xf32>, vector<64x1024xf32>, vector<1x1024xf32> -> vector<1x1024xf32>
      %swap3A = arith.constant 0 : index
      %swap3A_35 = arith.constant 0 : index
      %swap3A_36 = vector.load %arg8[%swap3A, %swap3A_35] : memref<4x1024xf32, #tpu.memory_space<vmem>>, vector<1x1024xf32>
      tpu.vector_store %arg8[%swap3A, %swap3A_35], %dot_general3A_34 {strides = array<i32>} : memref<4x1024xf32, #tpu.memory_space<vmem>>, vector<1x1024xf32>,
      %get3A_37 = arith.constant 0 : index
      %get3A_38 = arith.constant 1024 : index
      %get3A_39 = vector.load %arg3[%get3A_37, %get3A_38] : memref<64x2048xf32, #tpu.memory_space<vmem>>, vector<64x1024xf32>
      %dot_general3A_40 = arith.constant dense<0.000000e+00> : vector<1x1024xf32>
      %dot_general3A_41 = tpu.matmul %get3A_29, %get3A_39, %dot_general3A_40 {dimension_numbers = #tpu.dot_dimension_numbers<[1], [0], [0], [1], [0, 0, 1, 1], [], []>, transpose_lhs_hint = false} : vector<1x64xf32>, vector<64x1024xf32>, vector<1x1024xf32> -> vector<1x1024xf32>
      %swap3A_42 = arith.constant 1 : index
      %swap3A_43 = arith.constant 0 : index
      %swap3A_44 = vector.load %arg8[%swap3A_42, %swap3A_43] : memref<4x1024xf32, #tpu.memory_space<vmem>>, vector<1x1024xf32>
      tpu.vector_store %arg8[%swap3A_42, %swap3A_43], %dot_general3A_41 {strides = array<i32>} : memref<4x1024xf32, #tpu.memory_space<vmem>>, vector<1x1024xf32>,
      %get3A_45 = arith.constant 0 : index
      %get3A_46 = memref.load %arg1[%get3A_45] : memref<1xi32, #tpu.memory_space<smem>>
      %jit3A = arith.constant 8 : i32
      %eq3A_47 = arith.constant 0 : i32
      %eq3A_48 = arith.cmpi eq, %jit3A, %eq3A_47 : i32
      %jit3A_49 = arith.constant 1 : i32
      %select_n3A = arith.select %eq3A_48, %jit3A_49, %jit3A : i32
      %rem3A = arith.remsi %get3A_46, %select_n3A : i32
      %ne3A = arith.constant 0 : i32
      %ne3A_50 = arith.cmpi ne, %rem3A, %ne3A : i32
      %lt3A = arith.constant 0 : i32
      %lt3A_51 = arith.cmpi slt, %rem3A, %lt3A : i32
      %lt3A_52 = arith.constant 0 : i32
      %lt3A_53 = arith.cmpi slt, %select_n3A, %lt3A_52 : i32
      %ne3A_54 = arith.xori %lt3A_51, %lt3A_53 : i1
      %and3A = arith.andi %ne3A_54, %ne3A_50 : i1
      %add3A_55 = arith.addi %rem3A, %select_n3A : i32
      %select_n3A_56 = arith.select %and3A, %add3A_55, %rem3A : i32
      %get3A_57 = arith.index_cast %select_n3A_56 : i32 to index
      %get3A_58 = arith.constant 0 : index
      %get3A_59 = vector.load %arg4[%get3A_57, %get3A_58] : memref<8x2048xf32, #tpu.memory_space<vmem>>, vector<1x1024xf32>
      %swap3A_60 = arith.constant 2 : index
      %swap3A_61 = arith.constant 0 : index
      %swap3A_62 = vector.load %arg8[%swap3A_60, %swap3A_61] : memref<4x1024xf32, #tpu.memory_space<vmem>>, vector<1x1024xf32>
      tpu.vector_store %arg8[%swap3A_60, %swap3A_61], %get3A_59 {strides = array<i32>} : memref<4x1024xf32, #tpu.memory_space<vmem>>, vector<1x1024xf32>,
      %get3A_63 = arith.index_cast %select_n3A_56 : i32 to index
      %get3A_64 = arith.constant 1024 : index
      %get3A_65 = vector.load %arg4[%get3A_63, %get3A_64] : memref<8x2048xf32, #tpu.memory_space<vmem>>, vector<1x1024xf32>
      %swap3A_66 = arith.constant 3 : index
      %swap3A_67 = arith.constant 0 : index
      %swap3A_68 = vector.load %arg8[%swap3A_66, %swap3A_67] : memref<4x1024xf32, #tpu.memory_space<vmem>>, vector<1x1024xf32>
      tpu.vector_store %arg8[%swap3A_66, %swap3A_67], %get3A_65 {strides = array<i32>} : memref<4x1024xf32, #tpu.memory_space<vmem>>, vector<1x1024xf32>,
    } else {
    }
    %get3A = arith.index_cast %arg0 : i32 to index
    %get3A_2 = arith.constant 0 : index
    %get3A_3 = vector.load %arg8[%get3A, %get3A_2] : memref<4x1024xf32, #tpu.memory_space<vmem>>, vector<1x1024xf32>
    %get3A_4 = arith.constant 0 : index
    %get3A_5 = arith.constant 0 : index
    %get3A_6 = vector.load %arg5[%get3A_4, %get3A_5] : memref<1024x1024xf32, #tpu.memory_space<vmem>>, vector<1024x1024xf32>
    %dot_general3A = arith.constant dense<0.000000e+00> : vector<1x1024xf32>
    %dot_general3A_7 = tpu.matmul %get3A_3, %get3A_6, %dot_general3A {dimension_numbers = #tpu.dot_dimension_numbers<[1], [0], [0], [1], [0, 0, 1, 1], [], []>, transpose_lhs_hint = false} : vector<1x1024xf32>, vector<1024x1024xf32>, vector<1x1024xf32> -> vector<1x1024xf32>
    %add3A = arith.constant 2 : i32
    %add3A_8 = arith.addi %arg0, %add3A : i32
    %get3A_9 = arith.index_cast %add3A_8 : i32 to index
    %get3A_10 = arith.constant 0 : index
    %get3A_11 = vector.load %arg8[%get3A_9, %get3A_10] : memref<4x1024xf32, #tpu.memory_space<vmem>>, vector<1x1024xf32>
    %get3A_12 = arith.constant 0 : index
    %get3A_13 = arith.constant 0 : index
    %get3A_14 = vector.load %arg6[%get3A_12, %get3A_13] : memref<1024x1024xf32, #tpu.memory_space<vmem>>, vector<1024x1024xf32>
    %dot_general3A_15 = arith.constant dense<0.000000e+00> : vector<1x1024xf32>
    %dot_general3A_16 = tpu.matmul %get3A_11, %get3A_14, %dot_general3A_15 {dimension_numbers = #tpu.dot_dimension_numbers<[1], [0], [0], [1], [0, 0, 1, 1], [], []>, transpose_lhs_hint = false} : vector<1x1024xf32>, vector<1024x1024xf32>, vector<1x1024xf32> -> vector<1x1024xf32>
    %add3A_17 = arith.addf %dot_general3A_7, %dot_general3A_16 : vector<1x1024xf32>
    %eq3A_18 = arith.constant 0 : i32
    %eq3A_19 = arith.cmpi eq, %arg0, %eq3A_18 : i32
    %convert_element_type3A_20 = arith.extui %eq3A_19 : i1 to i32
    %cond3A_21 = arith.constant 0 : i32
    %cond3A_22 = arith.cmpi ne, %convert_element_type3A_20, %cond3A_21 : i32
    scf.if %cond3A_22 {
      %swap3A = arith.constant 0 : index
      %swap3A_27 = arith.constant 0 : index
      %swap3A_28 = vector.load %arg7[%swap3A, %swap3A_27] : memref<1x1024xf32, #tpu.memory_space<vmem>>, vector<1x1024xf32>
      tpu.vector_store %arg7[%swap3A, %swap3A_27], %add3A_17 {strides = array<i32>} : memref<1x1024xf32, #tpu.memory_space<vmem>>, vector<1x1024xf32>,
    } else {
    }
    %gt3A = arith.constant 0 : i32
    %gt3A_23 = arith.cmpi sgt, %arg0, %gt3A : i32
    %convert_element_type3A_24 = arith.extui %gt3A_23 : i1 to i32
    %cond3A_25 = arith.constant 0 : i32
    %cond3A_26 = arith.cmpi ne, %convert_element_type3A_24, %cond3A_25 : i32
    scf.if %cond3A_26 {
      %get3A_27 = arith.constant 0 : index
      %get3A_28 = arith.constant 0 : index
      %get3A_29 = vector.load %arg7[%get3A_27, %get3A_28] : memref<1x1024xf32, #tpu.memory_space<vmem>>, vector<1x1024xf32>
      %add3A_30 = arith.addf %get3A_29, %add3A_17 : vector<1x1024xf32>
      %swap3A = arith.constant 0 : index
      %swap3A_31 = arith.constant 0 : index
      %swap3A_32 = vector.load %arg7[%swap3A, %swap3A_31] : memref<1x1024xf32, #tpu.memory_space<vmem>>, vector<1x1024xf32>
      tpu.vector_store %arg7[%swap3A, %swap3A_31], %add3A_30 {strides = array<i32>} : memref<1x1024xf32, #tpu.memory_space<vmem>>, vector<1x1024xf32>,
    } else {
    }
    return
  }
  func.func @transform_0(%arg0: i32, %arg1: memref<1xi32, #tpu.memory_space<smem>>) -> (i32, i32) {
    %c0_i32 = arith.constant 0 : i32
    %c0_i32_0 = arith.constant 0 : i32
    %c0_i32_1 = arith.constant 0 : i32
    return %c0_i32, %c0_i32_0 : i32, i32
  }
  func.func @transform_1(%arg0: i32, %arg1: memref<1xi32, #tpu.memory_space<smem>>) -> (i32, i32) {
    %c0_i32 = arith.constant 0 : i32
    %c0_i32_0 = arith.constant 0 : i32
    %c0_i32_1 = arith.constant 0 : i32
    return %c0_i32, %c0_i32_0 : i32, i32
  }
  func.func @transform_2(%arg0: i32, %arg1: memref<1xi32, #tpu.memory_space<smem>>) -> (i32, i32) {
    %get3A = arith.constant 0 : index
    %get3A_0 = memref.load %arg1[%get3A] : memref<1xi32, #tpu.memory_space<smem>>
    %jit3A = arith.constant 8 : i32
    %div3A = arith.divsi %get3A_0, %jit3A : i32
    %sign3A = arith.constant 0 : i32
    %sign3A_1 = arith.cmpi sgt, %get3A_0, %sign3A : i32
    %sign3A_2 = arith.extui %sign3A_1 : i1 to i32
    %sign3A_3 = arith.constant 0 : i32
    %sign3A_4 = arith.cmpi slt, %get3A_0, %sign3A_3 : i32
    %sign3A_5 = arith.extui %sign3A_4 : i1 to i32
    %sign3A_6 = arith.subi %sign3A_2, %sign3A_5 : i32
    %sign3A_7 = arith.constant 0 : i32
    %sign3A_8 = arith.cmpi sgt, %jit3A, %sign3A_7 : i32
    %sign3A_9 = arith.extui %sign3A_8 : i1 to i32
    %sign3A_10 = arith.constant 0 : i32
    %sign3A_11 = arith.cmpi slt, %jit3A, %sign3A_10 : i32
    %sign3A_12 = arith.extui %sign3A_11 : i1 to i32
    %sign3A_13 = arith.subi %sign3A_9, %sign3A_12 : i32
    %ne3A = arith.cmpi ne, %sign3A_6, %sign3A_13 : i32
    %rem3A = arith.remsi %get3A_0, %jit3A : i32
    %ne3A_14 = arith.constant 0 : i32
    %ne3A_15 = arith.cmpi ne, %rem3A, %ne3A_14 : i32
    %and3A = arith.andi %ne3A, %ne3A_15 : i1
    %sub3A = arith.constant 1 : i32
    %sub3A_16 = arith.subi %div3A, %sub3A : i32
    %select_n3A = arith.select %and3A, %sub3A_16, %div3A : i32
    %c0_i32 = arith.constant 0 : i32
    %c0_i32_17 = arith.constant 0 : i32
    return %select_n3A, %c0_i32 : i32, i32
  }
  func.func @transform_3(%arg0: i32, %arg1: memref<1xi32, #tpu.memory_space<smem>>) -> (i32, i32) {
    %c0_i32 = arith.constant 0 : i32
    %c0_i32_0 = arith.constant 0 : i32
    return %arg0, %c0_i32 : i32, i32
  }
  func.func @transform_4(%arg0: i32, %arg1: memref<1xi32, #tpu.memory_space<smem>>) -> (i32, i32) {
    %add3A = arith.constant 2 : i32
    %add3A_0 = arith.addi %arg0, %add3A : i32
    %c0_i32 = arith.constant 0 : i32
    %c0_i32_1 = arith.constant 0 : i32
    return %add3A_0, %c0_i32 : i32, i32
  }
  func.func @transform_5(%arg0: i32, %arg1: memref<1xi32, #tpu.memory_space<smem>>) -> (i32, i32) {
    %c0_i32 = arith.constant 0 : i32
    %c0_i32_0 = arith.constant 0 : i32
    %c0_i32_1 = arith.constant 0 : i32
    return %c0_i32, %c0_i32_0 : i32, i32
  }
}

</mosaic_0001>

<sc_bundles>
// kernel: kernel.4.cloned.1.call-start
scs
__scs_entry_jumppad:
0x0: {  	(pc) =	sbr.rel $0x88, $3  }
0x1: {  	(tag) =	ssettag $0x0;
	lr =	simm.s32 $0x1  }
0x2: {  	[smem:$0x3F99] =	sst lr;
	_ =	strace $0xD0000000  }
0x3: {  	_ = 	snop  }
0x4: {  	_ = 	snop  }
0x5: {  	_ = 	snop  }
0x6: {  	_ = 	snop  }
0x7: {  	_ = 	snop  }
__scs_overlays_trampoline_lowered:
0x8: {  	[smem:$0x3FA8] =	sst s0  }
0x9: {  	[smem:$0x3FA9] =	sst s1  }
0xa: {  	[smem:$0x3FAA] =	sst s2  }
0xb: {  	[smem:$0x3FAB] =	sst s3  }
0xc: {  	[smem:$0x3FAC] =	sst s4  }
0xd: {  	[smem:$0x3FAD] =	sst s5  }
0xe: {  	[smem:$0x3FAE] =	sst s6  }
0xf: {  	[smem:$0x3FAF] =	sst s7  }
0x10: {  	[smem:$0x3FB0] =	sst s8  }
0x11: {  	[smem:$0x3FB1] =	sst s9;
	s0 =	simm.s32 @!p0 $0x0  }
0x12: {  	s1 =	sld [smem:$0x3F97];
	s0 =	simm.s32 @p0 $0x1  }
0x13: {  	[smem:$0x3FB2] =	sst s0;
	s0 =	simm.s32 @!p1 $0x0  }
0x14: {  	s2 =	sld [smem:$0x3F96];
	s0 =	simm.s32 @p1 $0x1  }
0x15: {  	[smem:$0x3FB3] =	sst s0;
	s0 =	simm.s32 @!p2 $0x0  }
0x16: {  	s3 =	sld [smem:$0x3FDB];
	s0 =	simm.s32 @p2 $0x1  }
0x17: {  	s4 =	simm.s32 $0x1BF5;
	[smem:$0x3FB5] =	sst s0  }
0x18: {  	s0 =	sld [smem:$0x3F98];
	_ =	swait.ge [sflag:s4], $0x0  }
0x19: {  	s7 =	sld [smem:$0x3F99]  }
0x1a: {  	s8 =	sadd.s32 $0xFFFFE003, lr  }
0x1b: {  	s9 =	sadd.s32 $0xFFFFFEF7, lr;
	s5 =	simm.s32 $0xFFFFFFFF;
	p2 =	slt.u32 s8, $0xFFFFF086  }
0x1c: {  	p1 =	slt.u32 s9, $0xF7A;
	s5 =	simm.s32 @!p2 $0x0  }
0x1d: {  	s5 =	simm.s32 @p1 $0x1;
	p0 =	seq.s32 s7, s2  }
0x1e: {  	s7 =	smul.u32 @!p0 $0xF7A, s2;
	p2 =	seq.s32 @!p0 s5, $0x0  }
0x1f: {  	s9 =	smul.u32 $0xF7A, s1;
	s8 =	simm.s32 @!p0 $0x1BF5;
	p2 =	por !p2, p0  }
0x20: {  	[sflag:s8] =	ssyncset.s32 @!p0 $0xFFFFF086;
	s6 =	sadd.s32 @!p0 s3, s7;
	s7 =	simm.s32 @!p0 $0x108  }
0x21: {  	s3 =	sadd.s32 s3, s9;
	s6 =	sadd.s32 @!p0 $0x88, s6;
	s7 =	simm.s32 @p2 $0x1082  }
0x22: {  	[simem:s7], [sflag:s8] =	dma.local @!p0 [hbm:s6], $0xF7A  }
0x23: {  	s9 =	sor.u32 $0xD0000000, s2;
	s6 =	simm.s32 $0x108;
	_ =	swait.ge @!p0 [sflag:s8], $0x0  }
0x24: {  	s3 =	sadd.s32 $0x88, s3;
	s6 =	simm.s32 @!p1 $0x1082;
	[sflag:s4] =	ssyncset.s32 $0xFFFFF086  }
0x25: {  	[simem:s6], [sflag:s4] =	dma.local [hbm:s3], $0xF7A  }
0x26: {  	[smem:$0x3F99] =	sst s1;
	(tag) =	ssettag s2;
	_ =	strace s9  }
0x27: {  	s1 =	sld [smem:$0x3FA9]  }
0x28: {  	s2 =	sld [smem:$0x3FAA]  }
0x29: {  	s4 =	sld [smem:$0x3FAC]  }
0x2a: {  	p0 =	seq.s32 s5, $0x0;
	s5 =	sld [smem:$0x3FAD]  }
0x2b: {  	s6 =	sld [smem:$0x3FAE]  }
0x2c: {  	s7 =	sld [smem:$0x3FAF]  }
0x2d: {  	s3 =	simm.s32 $0x108;
	s8 =	sld [smem:$0x3FB0]  }
0x2e: {  	s3 =	simm.s32 @!p0 $0x1082;
	s9 =	sld [smem:$0x3FB1]  }
0x2f: {  	lr =	sadd.s32 s0, s3;
	s0 =	sld [smem:$0x3FA8]  }
0x30: {  	s3 =	sld [smem:$0x3FAB]  }
0x31: {  	[smem:$0x3FB4] =	sst s10  }
0x32: {  	s10 =	sld [smem:$0x3FB2];
	_ =	sdelay $0x3  }
0x33: {  	p0 =	seq.s32 s10, $0x1;
	s10 =	sld [smem:$0x3FB4];
	_ =	sdelay $0x3  }
0x34: {  	[smem:$0x3FB4] =	sst s10  }
0x35: {  	s10 =	sld [smem:$0x3FB3];
	_ =	sdelay $0x3  }
0x36: {  	p1 =	seq.s32 s10, $0x1;
	s10 =	sld [smem:$0x3FB4];
	_ =	sdelay $0x3  }
0x37: {  	[smem:$0x3FB4] =	sst s10  }
0x38: {  	s10 =	sld [smem:$0x3FB5]  }
0x39: {  	_ = 	snop;
	(pc) =	sbr.ind lr, $3  }
0x3a: {  	_ = 	snop  }
0x3b: {  	_ = 	snop  }
0x3c: {  	p2 =	seq.s32 s10, $0x1;
	s10 =	sld [smem:$0x3FB4]  }
0x3d: {  	_ =	shalt  }
0x3e: {  	_ =	shalt  }
0x3f: {  	_ =	shalt  }
0x40: {  	_ =	shalt  }
0x41: {  	_ =	shalt  }
0x42: {  	_ =	shalt  }
0x43: {  	_ =	shalt  }
0x44: {  	_ =	shalt  }
0x45: {  	_ =	shalt  }
0x46: {  	_ =	shalt  }
0x47: {  	_ =	shalt  }
0x48: {  	_ =	shalt  }
0x49: {  	_ =	shalt  }
0x4a: {  	_ =	shalt  }
0x4b: {  	_ =	shalt  }
0x4c: {  	_ =	shalt  }
0x4d: {  	_ =	shalt  }
0x4e: {  	_ =	shalt  }
0x4f: {  	_ =	shalt  }
0x50: {  	_ =	shalt  }
0x51: {  	_ =	shalt  }
0x52: {  	_ =	shalt  }
0x53: {  	_ =	shalt  }
0x54: {  	_ =	shalt  }
0x55: {  	_ =	shalt  }
0x56: {  	_ =	shalt  }
0x57: {  	_ =	shalt  }
0x58: {  	_ =	shalt  }
0x59: {  	_ =	shalt  }
0x5a: {  	_ =	shalt  }
0x5b: {  	_ =	shalt  }
0x5c: {  	_ =	shalt  }
0x5d: {  	_ =	shalt  }
0x5e: {  	_ =	shalt  }
0x5f: {  	_ =	shalt  }
0x60: {  	_ =	shalt  }
0x61: {  	_ =	shalt  }
0x62: {  	_ =	shalt  }
0x63: {  	_ =	shalt  }
0x64: {  	_ =	shalt  }
0x65: {  	_ =	shalt  }
0x66: {  	_ =	shalt  }
0x67: {  	_ =	shalt  }
0x68: {  	_ =	shalt  }
0x69: {  	_ =	shalt  }
0x6a: {  	_ =	shalt  }
0x6b: {  	_ =	shalt  }
0x6c: {  	_ =	shalt  }
0x6d: {  	_ =	shalt  }
0x6e: {  	_ =	shalt  }
0x6f: {  	_ =	shalt  }
0x70: {  	_ =	shalt  }
0x71: {  	_ =	shalt  }
0x72: {  	_ =	shalt  }
0x73: {  	_ =	shalt  }
0x74: {  	_ =	shalt  }
0x75: {  	_ =	shalt  }
0x76: {  	_ =	shalt  }
0x77: {  	_ =	shalt  }
0x78: {  	_ =	shalt  }
0x79: {  	_ =	shalt  }
0x7a: {  	_ =	shalt  }
0x7b: {  	_ =	shalt  }
0x7c: {  	_ =	shalt  }
0x7d: {  	_ =	shalt  }
0x7e: {  	_ =	shalt  }
0x7f: {  	_ =	shalt  }
0x80: {  	_ =	shalt  }
0x81: {  	_ =	shalt  }
0x82: {  	_ =	shalt  }
0x83: {  	_ =	shalt  }
0x84: {  	_ =	shalt  }
0x85: {  	_ =	shalt  }
0x86: {  	_ =	shalt  }
0x87: {  	_ =	shalt  }
.Lfunc_end0:
.L_simem_size_0:
called_computation_lowered:
.L_overlay_start_0:
0x88: {  	s2 =	sld [smem:$0x3FD9]  }
0x89: {  	s3 =	sld [smem:$0x3FFE];
	_ =	sdelay $0x1  }
0x8a: {  	s1 =	srdreg.scid  }
0x8b: {  	s0 =	sand.u32 $0x1, s1  }
0x8c: {  	s14 =	sshll.u32 s0, $0xA;
	s2 =	sadd.s32 s3, s2  }
0x8d: {  	s2 =	sadd.s32 s2, s14  }
0x8e: {  	[smem:$0x3FC0] =	sst s2  }
0x8f: {  	_ = 	snop  }
0x90: {  	s2 =	sld [smem:$0x3FC9]  }
0x91: {  	s15 =	sld [smem:$0x3FC8]  }
0x92: {  	s4 =	sld [smem:$0x3FD0]  }
0x93: {  	s5 =	sld [smem:$0x3FC7]  }
0x94: {  	s6 =	sld [smem:$0x3FC6]  }
0x95: {  	s8 =	simm.s32 $0xA;
	s9 =	simm.s32 $0x10;
	s7 =	sld [smem:$0x3FC5]  }
0x96: {  	[smem:s9], [sflag:s8] =	dma.local [hbm:s4], $0x1  }
0x97: {  	_ =	swait.eq [sflag:s8], $0x1  }
0x98: {  	s16 =	sld [smem:$0x10];
	[sflag:s8] =	ssyncset.done $0x0  }
0x99: {  	s17 =	sld [smem:$0x11];
	[sflag:s8] =	ssyncadd.s32 $0xFFFFFFFF  }
0x9a: {  	s18 =	sld [smem:$0x12];
	(tm) =	ssettm $0x1  }
0x9b: {  	s10 =	sld [smem:$0x3FFB];
	_ =	sdelay $0x3  }
0x9c: {  	_ =	strace s10  }
0x9d: {  	s10 =	sld [smem:$0x3FFC];
	_ =	sdelay $0x3  }
0x9e: {  	_ =	strace s10  }
0x9f: {  	s10 =	sld [smem:$0x3FFD];
	_ =	sdelay $0x3  }
0xa0: {  	_ =	strace s10  }
0xa1: {  	_ =	strace $0x8FFFFFFF  }
0xa2: {  	s19 =	sld [smem:$0x3FDB];
	_ =	sdelay $0x1  }
0xa3: {  	s11 =	simm.s32 $_scs_section_size  }
0xa4: {  	s12 =	simm.s32 $_size__tile_overlayer_lowered;
	s13 =	simm.s32 $_tile_overlayer_lowered  }
0xa5: {  	s22 =	simm.s32 $0x1BFF;
	s21 =	sshll.u32 s13, $0x1;
	s10 =	sadd.s32 s11, s19  }
0xa6: {  	s20 =	sshll.u32 s12, $0x1;
	s14 =	simm.s32 $0x0;
	s12 =	sadd.s32 s21, s10  }
0xa7: {  	[timem:s14], [sflag:s22] =	dma.local [hbm:s12], s20  }
0xa8: {  	_ =	swait.ge [sflag:s22], s20  }
0xa9: {  	s11 =	ssub.s32 $0x0, s20;
	[sflag:s22] =	ssyncset.done $0x0  }
0xaa: {  	[sflag:s22] =	ssyncadd.s32 s11;
	_ =	sdelay $0x1  }
0xab: {  	s23 =	simm.s32 $0x1B8B  }
0xac: {  	_ =	swait.ge [sflag:s23], $0x1  }
0xad: {  	[sflag:s23] =	ssyncset.done $0x0  }
0xae: {  	s25 =	simm.s32 $0x1B8E;
	s24 =	sld [smem:$0x3FFE];
	[sflag:s23] =	ssyncadd.s32 $0xFFFFFFFF  }
0xaf: {  	s26 =	simm.s32 $execute0_lowered;
	[smem:$0x3FD2] =	sst s25  }
0xb0: {  	s12 =	sshll.u32 s26, $0x1;
	_ =	strace $0x80000046;
	[dreg:$0x1] =	wrdreg $0xFFFFFFFF  }
0xb1: {  	s28 =	simm.s32 $_size_execute0_lowered;
	s10 =	sadd.s32 s10, s12;
	[dreg:$0x0] =	wrdreg $0x0  }
0xb2: {  	s12 =	sshll.u32 s28, $0x1;
	[dreg:$0x2] =	wrdreg s10  }
0xb3: {  	[dreg:$0x3] =	wrdreg s12  }
0xb4: {  	[dreg:$0x4] =	wrdreg $0xC0  }
0xb5: {  	_ =	task [dreg:s14], $0x5FFFF  }
0xb6: {  	[dreg:$0x1] =	wrdreg $0xFFFFFFFF  }
0xb7: {  	[dreg:$0x0] =	wrdreg $0x60  }
0xb8: {  	[dreg:$0x2] =	wrdreg s2  }
0xb9: {  	[dreg:$0x3] =	wrdreg s15  }
0xba: {  	[dreg:$0x4] =	wrdreg s5  }
0xbb: {  	[dreg:$0x5] =	wrdreg s7  }
0xbc: {  	[dreg:$0x6] =	wrdreg s6  }
0xbd: {  	[dreg:$0x7] =	wrdreg s16  }
0xbe: {  	[dreg:$0x8] =	wrdreg s24  }
0xbf: {  	[dreg:$0x9] =	wrdreg s17  }
0xc0: {  	[dreg:$0xa] =	wrdreg s18  }
0xc1: {  	[dreg:$0xb] =	wrdreg $0x9  }
0xc2: {  	_ =	task.clear_ibuf [dreg:s14], $0xCFFFF;
	_ =	strace $0x90000046  }
0xc3: {  	s29 =	simm.s32 $0x9;
	_ =	strace $0x80000048  }
0xc4: {  	_ =	swait.ge [sflag:s29], $0x1  }
0xc5: {  	[sflag:s29] =	ssyncadd.s32 $0xFFFFFFFF  }
0xc6: {  	_ =	strace $0x90000048  }
0xc7: {  	_ =	sfence  }
0xc8: {  	s30 =	sld [smem:$0x0];
	_ =	sdelay $0x2  }
0xc9: {  	s31 =	sshll.u32 s1, $0xD;
	s1 =	sshrl.u32 s1, $0x2  }
0xca: {  	s3 =	sand.u32 $0x4000, s31;
	s1 =	sadd.s32 s1, s30  }
0xcb: {  	s0 =	sor.u32 s3, s0;
	s1 =	sshll.u32 s1, $0x11  }
0xcc: {  	s0 =	sor.u32 s1, s0  }
0xcd: {  	s0 =	sadd.s32 $0x8F2B, s0  }
0xce: {  	[sflag:s0] =	ssyncadd.remote.s32 $0x1  }
0xcf: {  	_ =	sfence.sel $0xFFFF  }
0xd0: {  	[dreg:$0x0] =	wrdreg $0xFFFFFFFF;
	(pc) =	sbr.abs _section_cstart, $3  }
0xd1: {  	[dreg:$0x1] =	wrdreg $0xFFFFFFFF  }
0xd2: {  	_ =	task.clear_ibuf [dreg:s14], $0x2FFFF;
	_ =	strace $0x9FFFFFFF  }
0xd3: {  	(tm) =	ssettm $0x7FFFFFFF  }
tec
execute0_lowered:
.L_overlay_start_1:
0x0: {  	(tag) =	ssettag $0x1  }
0x1: {  	s1 =	srdreg.scid  }
0x2: {  	s2 =	stileid.u32;
	s1 =	sand.u32 $0x1, s1  }
0x3: {  	s2 =	sor.u32 s2, s1  }
0x4: {  	p0 =	sne.s32 s2, $0x0  }
.Ltmp0:
0x5: {  	s5 =	rddreg [dreg:$0x5];
	(pc) =	sbr.rel @p0 .LBB2_7-.Ltmp0, $4  }
0x6: {  	s0 =	rddreg [dreg:$0x6]  }
0x7: {  	s8 =	rddreg [dreg:$0x7];
	s10 =	simm.s32 $0x0  }
0x8: {  	[smem:$0x7FF] =	sst s10  }
0x9: {  	s9 =	rddreg [dreg:$0x8];
	_ =	strace $0x80000047  }
0xa: {  	v0 =	vimm.s32 $0x76543210;
	v1 =	vimm.s32 $0xFEDCBA98  }
0xb: {  	v2 =	vimm.s32 $0xBA98FEDC;
	v3 =	vimm.s32 $0x32107654;
	v4 =	vimm.s32 $0xDCFE98BA  }
0xc: {  	v5 =	vimm.s32 $0x54761032;
	v6 =	vimm.s32 $0xEDCBA987;
	v1 =	vunpack.c.l.s4.s8 v1  }
0xd: {  	v0 =	vunpack.c.l.s4.s8 v0;
	v2 =	vunpack.c.l.s4.s8 v2;
	v3 =	vunpack.c.l.s4.s8 v3  }
0xe: {  	v7 =	vimm.s32 $0xDCBA9876;
	v4 =	vunpack.c.l.s4.s8 v4;
	v1 =	vunpack.c.0.s8.s32 v1  }
0xf: {  	v0 =	vunpack.c.0.s8.s32 v0;
	v2 =	vunpack.c.0.s8.s32 v2;
	v3 =	vunpack.c.0.s8.s32 v3  }
0x10: {  	v9 =	vimm.s32 $0xE40000;
	v5 =	vunpack.c.l.s4.s8 v5;
	v1 =	vand.u32 $0xF, v1  }
0x11: {  	v0 =	vcombine.low v1, v0;
	v1 =	vcombine.low v3, v2;
	v2 =	vunpack.c.0.s8.s32 v4  }
0x12: {  	v3 =	vunpack.c.0.s8.s32 v5;
	v4 =	vimm.s32 $0xEFCDAB89;
	v5 =	vimm.s32 $0x67452301  }
0x13: {  	vm0 =	vmmov $0x3;
	v4 =	vunpack.c.l.s4.s8 v4;
	v5 =	vunpack.c.l.s4.s8 v5  }
0x14: {  	vm2 =	vcmask $0x3F30;
	v2 =	vcombine.low v3, v2;
	v3 =	vunpack.c.l.s4.s8 v6  }
0x15: {  	v6 =	vimm.s32 $0x65432100;
	v4 =	vunpack.c.0.s8.s32 v4;
	v5 =	vunpack.c.0.s8.s32 v5  }
0x16: {  	vm1 =	vmmov $0xf;
	v6 =	vunpack.c.l.s4.s8 v6;
	v3 =	vunpack.c.0.s8.s32 v3  }
0x17: {  	v1 =	vand.u32 $0xF, v1;
	v4 =	vcombine.low v5, v4;
	v5 =	vunpack.c.l.s4.s8 v7  }
0x18: {  	v6 =	vunpack.c.0.s8.s32 v6;
	v7 =	vand.u32 $0xF, v3;
	v3 =	vimm.s32 $0x54321000  }
0x19: {  	v2 =	vand.u32 $0xF, v2;
	v8 =	vunpack.c.l.s4.s8 v3;
	v5 =	vunpack.c.0.s8.s32 v5  }
0x1a: {  	v3 =	vand.u32 $0xF, v4;
	v4 =	vcombine.low v6, v7;
	v6 =	vunpack.c.l.s2.s4 v9  }
0x1b: {  	v7 =	vunpack.c.0.s8.s32 v8;
	v8 =	vand.u32 $0xF, v5;
	v5 =	vimm.s32 $0xBA987654  }
0x1c: {  	s1 =	ssub.s32 $0x2, s1;
	s11 =	sadd.s32 $0x1A00, s0;
	s12 =	sadd.s32 $0x1800, s0;
	v9 =	vimm.s32 $0x32100000;
	v11 =	vunpack.c.l.s4.s8 v6;
	v10 =	vunpack.c.l.s4.s8 v5  }
0x1d: {  	s13 =	sadd.s32 $0x1C00, s0;
	s15 =	simm.s32 $0x1;
	s16 =	simm.s32 $0x4100;
	v5 =	vlaneseq.u32;
	v6 =	vcombine.low v7, v8;
	v7 =	vunpack.c.l.s4.s8 v9  }
0x1e: {  	s17 =	simm.s32 $0x4180;
	s18 =	simm.s32 $0x400;
	s19 =	simm.s32 $0x80;
	v9 =	vimm.s32 $0x7060504;
	v8 =	vunpack.c.0.s8.s32 v10;
	v10 =	vunpack.c.0.s8.s32 v11  }
0x1f: {  	s20 =	simm.s32 $0x1080;
	s21 =	simm.s32 $0x2080;
	s22 =	simm.s32 $0x3080;
	v12 =	vor.u32 $0x20, v5;
	v9 =	vunpack.c.0.s8.s32 v9;
	v7 =	vunpack.c.0.s8.s32 v7  }
0x20: {  	s23 =	simm.s32 $0x4080;
	s24 =	simm.s32 $0x4200;
	s25 =	simm.s32 $0x4280;
	v13 =	vor.u32 $0x30, v5;
	v8 =	vand.u32 $0xF, v8;
	v10 =	vand.u32 $0x3, v10  }
0x21: {  	s26 =	simm.s32 $0x4300;
	s28 =	simm.s32 $0x4380;
	s2 =	sshrl.u32 s1, $0x1;
	v11 =	vor.u32 $0x10, v5;
	v7 =	vcombine.low v7, v8;
	v8 =	vsel vm2, v9, v10  }
0x22: {  	s29 =	simm.s32 $0x4400;
	s30 =	simm.s32 $0x0;
	s14 =	ssub.s32 s1, s2;
	vm2 =	vmmov $0xff;
	v9 =	vimm.s32 $0xF;
	v10 =	vimm.s32 $0x0  }
.LBB2_2:
0x23: {  	s0 =	rddreg [dreg:$0x4]  }
0x24: {  	[tilespmem:s10], [sflag:$0x1] =	stream.linear.gather [hbm4b:s0+s10], $0x80, $0x38;
	[tilespmem:$0x4480] =	vst v63  }
0x25: {  	_ =	swait.ge [sflag:s15], $0x80  }
0x26: {  	[sflag:s15] =	ssyncset.done $0x0  }
0x27: {  	[sflag:s15] =	ssyncadd.s32 $0xFFFFFF80  }
0x28: {  	[tilespmem:s16], [sflag:$0x1] =	stream.linear.gather [hbm4b:s5+s10], $0x80, $0x38;
	[tilespmem:$0x4480] =	vst v63  }
0x29: {  	_ =	swait.ge [sflag:s15], $0x80  }
0x2a: {  	[sflag:s15] =	ssyncset.done $0x0  }
0x2b: {  	[sflag:s15] =	ssyncadd.s32 $0xFFFFFF80  }
0x2c: {  	[tilespmem:s17], [sflag:$0x1] =	stream.linear.gather [hbm4b:s11+s10], $0x80, $0x38;
	[tilespmem:$0x4480] =	vst v63  }
0x2d: {  	_ =	swait.ge [sflag:s15], $0x80  }
0x2e: {  	[sflag:s15] =	ssyncset.done $0x0  }
0x2f: {  	[sflag:s15] =	ssyncadd.s32 $0xFFFFFF80  }
0x30: {  	v14 =	vld [tilespmem:$0x4100];
	_ =	sdelay $0x4  }
0x31: {  	(v2sf) =	vpush v14, $0x0;
	_ =	sdelay $0xe  }
0x32: {  	s2 =	spop (v2sf)  }
0x33: {  	s1 =	sshll.u32 s2, $0xC;
	s0 =	sshll.u32 s2, $0x7  }
0x34: {  	s1 =	sand.u32 $0xFFFF8000, s1;
	s0 =	sand.u32 $0x380, s0  }
0x35: {  	s0 =	sor.u32 s0, s1  }
0x36: {  	s3 =	rddreg [dreg:$0x0];
	s0 =	sshrl.u32 s0, $0x3  }
0x37: {  	s0 =	sadd.s32 s3, s0  }
0x38: {  	[tilespmem:s19], [sflag:$0x1] =	stream.strided.gather [hbm4b:s0+s19], $0x1000, s18, s19, $0x38;
	[tilespmem:$0x4480] =	vst v63  }
0x39: {  	_ =	swait.ge [sflag:s15], $0x1000  }
0x3a: {  	[sflag:s15] =	ssyncset.done $0x0  }
0x3b: {  	[sflag:s15] =	ssyncadd.s32 $0xFFFFF000  }
0x3c: {  	s4 =	rddreg [dreg:$0x1]  }
0x3d: {  	[tilespmem:s20], [sflag:$0x1] =	stream.linear.gather [hbm4b:s4+s10], $0x1000, $0x38;
	[tilespmem:$0x4480] =	vst v63  }
0x3e: {  	_ =	swait.ge [sflag:s15], $0x1000  }
0x3f: {  	[sflag:s15] =	ssyncset.done $0x0  }
0x40: {  	[sflag:s15] =	ssyncadd.s32 $0xFFFFF000  }
0x41: {  	s6 =	rddreg [dreg:$0x2]  }
0x42: {  	[tilespmem:s21], [sflag:$0x1] =	stream.linear.gather [hbm4b:s6+s10], $0x1000, $0x38;
	[tilespmem:$0x4480] =	vst v63  }
0x43: {  	_ =	swait.ge [sflag:s15], $0x1000  }
0x44: {  	[sflag:s15] =	ssyncset.done $0x0  }
0x45: {  	[sflag:s15] =	ssyncadd.s32 $0xFFFFF000  }
0x46: {  	[tilespmem:s22], [sflag:$0x1] =	stream.linear.gather [hbm4b:s12+s10], $0x1000, $0x38;
	[tilespmem:$0x4480] =	vst v63  }
0x47: {  	_ =	swait.ge [sflag:s15], $0x1000  }
0x48: {  	[sflag:s15] =	ssyncset.done $0x0  }
0x49: {  	[sflag:s15] =	ssyncadd.s32 $0xFFFFF000  }
0x4a: {  	s7 =	rddreg [dreg:$0x3]  }
0x4b: {  	[tilespmem:s23], [sflag:$0x1] =	stream.linear.gather [hbm4b:s7+s10], $0x80, $0x38;
	[tilespmem:$0x4480] =	vst v63  }
0x4c: {  	_ =	swait.ge [sflag:s15], $0x80  }
0x4d: {  	[sflag:s15] =	ssyncset.done $0x0  }
0x4e: {  	[sflag:s15] =	ssyncadd.s32 $0xFFFFFF80  }
0x4f: {  	s31 =	simm.s32 $0xC0;
	v14 =	vld [tilespmem:$0x4180]  }
0x50: {  	s0 =	simm.s32 $0x10C0;
	v15 =	vld [tilespmem:s31+$0xFFFFFFC0]  }
0x51: {  	v16 =	vld [tilespmem:s0+$0xFFFFFFC0]  }
0x52: {  	v17 =	vld [tilespmem:s31+$0xFFFFFFD0]  }
0x53: {  	v18 =	vld [tilespmem:s0+$0xFFFFFFD0]  }
0x54: {  	v19 =	vld [tilespmem:s31+$0xFFFFFFE0]  }
0x55: {  	v20 =	vld [tilespmem:s0+$0xFFFFFFE0]  }
0x56: {  	v21 =	vld [tilespmem:s31+$0xFFFFFFF0];
	v15 =	vmul.f32 v16, v15  }
0x57: {  	v22 =	vld [tilespmem:s0+$0xFFFFFFF0];
	v16 =	vimm.f32 $0.0e+00  }
0x58: {  	v23 =	vld [tilespmem:s31+$0x0];
	v17 =	vmul.f32 v18, v17;
	v15 =	vadd.f32 v15, v16  }
0x59: {  	v24 =	vld [tilespmem:s0+$0x0]  }
0x5a: {  	v18 =	vmul.f32 v20, v19;
	v19 =	vld [tilespmem:s0+$0x10];
	v17 =	vadd.f32 v17, v15  }
0x5b: {  	v16 =	vld [tilespmem:s31+$0x10]  }
0x5c: {  	v21 =	vmul.f32 v22, v21;
	v15 =	vld [tilespmem:s31+$0x20];
	v20 =	vadd.f32 v18, v17  }
0x5d: {  	v18 =	vld [tilespmem:s0+$0x20]  }
0x5e: {  	v22 =	vmul.f32 v24, v23;
	v17 =	vld [tilespmem:s31+$0x30];
	v21 =	vadd.f32 v21, v20  }
0x5f: {  	s2 =	simm.s32 $0x140;
	s1 =	simm.s32 $0x0;
	v20 =	vld [tilespmem:s0+$0x30]  }
.LBB2_3:
0x60: {  	v23 =	vld [tilespmem:s2+$0xFFFFFFC0];
	v21 =	vadd.f32 v22, v21;
	v16 =	vmul.f32 v19, v16;
	s0 =	sadd.s32 $0x80, s0  }
0x61: {  	s1 =	sadd.s32 $0x8, s1;
	v19 =	vld [tilespmem:s0+$0xFFFFFFC0]  }
0x62: {  	p0 =	slt.u32 s1, $0xF8;
	v22 =	vld [tilespmem:s2+$0xFFFFFFD0];
	v16 =	vadd.f32 v16, v21;
	v15 =	vmul.f32 v18, v15  }
0x63: {  	v18 =	vld [tilespmem:s0+$0xFFFFFFD0]  }
0x64: {  	v21 =	vld [tilespmem:s2+$0xFFFFFFE0];
	v15 =	vadd.f32 v15, v16;
	v16 =	vmul.f32 v20, v17  }
0x65: {  	v17 =	vld [tilespmem:s0+$0xFFFFFFE0]  }
0x66: {  	v19 =	vmul.f32 v19, v23;
	v20 =	vld [tilespmem:s2+$0xFFFFFFF0];
	v15 =	vadd.f32 v16, v15  }
0x67: {  	v23 =	vld [tilespmem:s0+$0xFFFFFFF0]  }
0x68: {  	v15 =	vadd.f32 v19, v15;
	v16 =	vmul.f32 v18, v22;
	v22 =	vld [tilespmem:s2+$0x0]  }
0x69: {  	v24 =	vld [tilespmem:s0+$0x0]  }
0x6a: {  	v15 =	vadd.f32 v16, v15;
	v17 =	vmul.f32 v17, v21;
	v16 =	vld [tilespmem:s2+$0x10]  }
.Ltmp1:
0x6b: {  	v19 =	vld [tilespmem:s0+$0x10];
	(pc) =	sbr.rel @p0 .LBB2_3-.Ltmp1, $4  }
0x6c: {  	v17 =	vadd.f32 v17, v15;
	v20 =	vmul.f32 v23, v20;
	v15 =	vld [tilespmem:s2+$0x20]  }
0x6d: {  	v18 =	vld [tilespmem:s0+$0x20]  }
0x6e: {  	v21 =	vadd.f32 v20, v17;
	v22 =	vmul.f32 v24, v22;
	v17 =	vld [tilespmem:s2+$0x30]  }
0x6f: {  	s2 =	sadd.s32 $0x80, s2;
	v20 =	vld [tilespmem:s0+$0x30]  }
0x70: {  	v21 =	vadd.f32 v22, v21;
	v16 =	vmul.f32 v19, v16;
	_ =	sdelay $0x1  }
0x71: {  	v16 =	vadd.f32 v16, v21;
	v15 =	vmul.f32 v18, v15;
	_ =	sdelay $0x1  }
0x72: {  	v15 =	vadd.f32 v15, v16;
	v16 =	vmul.f32 v20, v17;
	_ =	sdelay $0x1  }
0x73: {  	v15 =	vadd.f32 v16, v15;
	_ =	sdelay $0x1  }
0x74: {  	[tilespmem:$0x4200] =	vst v15  }
0x75: {  	v16 =	vld.idx.msk [tilespmem:v0+s24+$0x0], $0xffff;
	_ =	sdelay $0x4  }
0x76: {  	v15 =	vadd.f32 v16, v15;
	_ =	sdelay $0x1  }
0x77: {  	[tilespmem:$0x4200] =	vst v15  }
0x78: {  	v16 =	vld.idx.msk [tilespmem:v1+s24+$0x0], $0xffff;
	_ =	sdelay $0x4  }
0x79: {  	v15 =	vadd.f32 v16, v15;
	_ =	sdelay $0x1  }
0x7a: {  	[tilespmem:$0x4200] =	vst v15  }
0x7b: {  	v16 =	vld.idx.msk [tilespmem:v2+s24+$0x0], $0xffff;
	_ =	sdelay $0x4  }
0x7c: {  	v15 =	vadd.f32 v16, v15;
	_ =	sdelay $0x1  }
0x7d: {  	[tilespmem:$0x4200] =	vst v15  }
0x7e: {  	v16 =	vld.idx.msk [tilespmem:v3+s24+$0x0], $0xffff;
	_ =	sdelay $0x1  }
0x7f: {  	v17 =	vld [tilespmem:$0x4080];
	_ =	sdelay $0x1  }
0x80: {  	v18 =	vld [tilespmem:$0x4090]  }
0x81: {  	v15 =	vadd.f32 v16, v15  }
0x82: {  	v16 =	vld [tilespmem:$0x40A0]  }
0x83: {  	v17 =	vmul.f32 v15, v17  }
0x84: {  	v19 =	vld [tilespmem:$0x40B0]  }
0x85: {  	v18 =	vmul.f32 v18, v15;
	v17 =	vadd.f32 $0.0e+00, v17;
	_ =	sdelay $0x1  }
0x86: {  	v16 =	vmul.f32 v16, v15;
	v17 =	vadd.f32 v18, v17;
	_ =	sdelay $0x1  }
0x87: {  	v16 =	vadd.f32 v16, v17;
	v17 =	vmul.f32 v19, v15;
	_ =	sdelay $0x1  }
0x88: {  	v16 =	vadd.f32 v17, v16;
	_ =	sdelay $0x1  }
0x89: {  	[tilespmem:$0x4200] =	vst v16  }
0x8a: {  	v17 =	vld.idx.msk [tilespmem:v0+s24+$0x0], $0xffff;
	_ =	sdelay $0x4  }
0x8b: {  	v16 =	vadd.f32 v17, v16;
	_ =	sdelay $0x1  }
0x8c: {  	[tilespmem:$0x4200] =	vst v16  }
0x8d: {  	v17 =	vld.idx.msk [tilespmem:v1+s24+$0x0], $0xffff;
	_ =	sdelay $0x4  }
0x8e: {  	v16 =	vadd.f32 v17, v16;
	_ =	sdelay $0x1  }
0x8f: {  	[tilespmem:$0x4200] =	vst v16  }
0x90: {  	v17 =	vld.idx.msk [tilespmem:v2+s24+$0x0], $0xffff;
	_ =	sdelay $0x4  }
0x91: {  	v16 =	vadd.f32 v17, v16;
	_ =	sdelay $0x1  }
0x92: {  	[tilespmem:$0x4200] =	vst v16  }
0x93: {  	v17 =	vld.idx.msk [tilespmem:v3+s24+$0x0], $0xffff;
	_ =	sdelay $0x4  }
0x94: {  	v16 =	vadd.f32 v17, v16;
	_ =	sdelay $0x1  }
0x95: {  	(erf) = vrcp.f32 v16;
	_ =	sdelay $0x2  }
0x96: {  	v16 =	vld [tilespmem:$0x4080];
	_ =	sdelay $0x4  }
0x97: {  	v16 =	vmul.f32 v16, v15  }
0x98: {  	v17 =	vpop (erf)  }
0x99: {  	v16 =	vmul.f32 v17, v16;
	_ =	sdelay $0x1  }
0x9a: {  	[tilespmem:$0x4200] =	vst v16  }
0x9b: {  	v18 =	vld.idx.msk [tilespmem:v4+s24+$0x0], $0xffff;
	_ =	sdelay $0x3  }
0x9c: {  	vm3 =	veq.s32 v5, $0x0  }
0x9d: {  	v18 =	vsel vm3, $0x0, v18  }
0x9e: {  	v16 =	vadd.f32 v18, v16;
	_ =	sdelay $0x1  }
0x9f: {  	[tilespmem:$0x4200] =	vst v16  }
0xa0: {  	v18 =	vld.idx.msk [tilespmem:v6+s24+$0x0], $0xffff;
	_ =	sdelay $0x4  }
0xa1: {  	v18 =	vsel vm0, $0x0, v18  }
0xa2: {  	v16 =	vadd.f32 v18, v16;
	_ =	sdelay $0x1  }
0xa3: {  	[tilespmem:$0x4200] =	vst v16  }
0xa4: {  	v18 =	vld.idx.msk [tilespmem:v7+s24+$0x0], $0xffff;
	_ =	sdelay $0x4  }
0xa5: {  	v18 =	vsel vm1, $0x0, v18  }
0xa6: {  	v16 =	vadd.f32 v18, v16;
	_ =	sdelay $0x1  }
0xa7: {  	[tilespmem:$0x4200] =	vst v16  }
0xa8: {  	v18 =	vld.idx.msk [tilespmem:v8+s24+$0x0], $0xffff;
	_ =	sdelay $0x2  }
0xa9: {  	v19 =	vld [tilespmem:$0x4090];
	_ =	sdelay $0x1  }
0xaa: {  	v18 =	vsel vm2, $0x0, v18  }
0xab: {  	v16 =	vadd.f32 v18, v16;
	_ =	sdelay $0x1  }
0xac: {  	v19 =	vmul.f32 v19, v15;
	v18 =	vadd.f32 $0.0e+00, v16;
	_ =	sdelay $0x1  }
0xad: {  	[tilespmem:$0x4200] =	vst v18;
	v18 =	vmul.f32 v19, v17;
	_ =	sdelay $0x1  }
0xae: {  	v19 =	vld.idx.msk [tilespmem:v9+s24+$0x0], $0xffff;
	[tilespmem:$0x4200] =	vst v18  }
0xaf: {  	v20 =	vld.idx.msk [tilespmem:v4+s24+$0x0], $0xffff;
	_ =	sdelay $0x4  }
0xb0: {  	v20 =	vsel vm3, $0x0, v20  }
0xb1: {  	v18 =	vadd.f32 v20, v18;
	_ =	sdelay $0x1  }
0xb2: {  	[tilespmem:$0x4200] =	vst v18  }
0xb3: {  	v20 =	vld.idx.msk [tilespmem:v6+s24+$0x0], $0xffff;
	_ =	sdelay $0x4  }
0xb4: {  	v20 =	vsel vm0, $0x0, v20  }
0xb5: {  	v18 =	vadd.f32 v20, v18;
	_ =	sdelay $0x1  }
0xb6: {  	[tilespmem:$0x4200] =	vst v18  }
0xb7: {  	v20 =	vld.idx.msk [tilespmem:v7+s24+$0x0], $0xffff;
	_ =	sdelay $0x4  }
0xb8: {  	v20 =	vsel vm1, $0x0, v20  }
0xb9: {  	v18 =	vadd.f32 v20, v18;
	_ =	sdelay $0x1  }
0xba: {  	[tilespmem:$0x4200] =	vst v18  }
0xbb: {  	v20 =	vld.idx.msk [tilespmem:v8+s24+$0x0], $0xffff;
	_ =	sdelay $0x2  }
0xbc: {  	v21 =	vld [tilespmem:$0x40A0];
	_ =	sdelay $0x1  }
0xbd: {  	v20 =	vsel vm2, $0x0, v20  }
0xbe: {  	v18 =	vadd.f32 v20, v18;
	_ =	sdelay $0x1  }
0xbf: {  	v18 =	vadd.f32 v18, v19;
	v19 =	vmul.f32 v21, v15;
	_ =	sdelay $0x1  }
0xc0: {  	v19 =	vmul.f32 v19, v17  }
0xc1: {  	[tilespmem:$0x4200] =	vst v18  }
0xc2: {  	v20 =	vld.idx.msk [tilespmem:v9+s24+$0x0], $0xffff;
	[tilespmem:$0x4200] =	vst v19  }
0xc3: {  	v21 =	vld.idx.msk [tilespmem:v4+s24+$0x0], $0xffff;
	_ =	sdelay $0x4  }
0xc4: {  	v21 =	vsel vm3, $0x0, v21  }
0xc5: {  	v19 =	vadd.f32 v21, v19;
	_ =	sdelay $0x1  }
0xc6: {  	[tilespmem:$0x4200] =	vst v19  }
0xc7: {  	v21 =	vld.idx.msk [tilespmem:v6+s24+$0x0], $0xffff;
	_ =	sdelay $0x4  }
0xc8: {  	v21 =	vsel vm0, $0x0, v21  }
0xc9: {  	v19 =	vadd.f32 v21, v19;
	_ =	sdelay $0x1  }
0xca: {  	[tilespmem:$0x4200] =	vst v19  }
0xcb: {  	v21 =	vld.idx.msk [tilespmem:v7+s24+$0x0], $0xffff;
	_ =	sdelay $0x4  }
0xcc: {  	v21 =	vsel vm1, $0x0, v21  }
0xcd: {  	v19 =	vadd.f32 v21, v19;
	_ =	sdelay $0x1  }
0xce: {  	[tilespmem:$0x4200] =	vst v19  }
0xcf: {  	v21 =	vld.idx.msk [tilespmem:v8+s24+$0x0], $0xffff;
	_ =	sdelay $0x1  }
0xd0: {  	v22 =	vld [tilespmem:$0x40B0];
	_ =	sdelay $0x2  }
0xd1: {  	v21 =	vsel vm2, $0x0, v21  }
0xd2: {  	v19 =	vadd.f32 v21, v19  }
0xd3: {  	v15 =	vmul.f32 v22, v15  }
0xd4: {  	v19 =	vadd.f32 v19, v20  }
0xd5: {  	v15 =	vmul.f32 v15, v17  }
0xd6: {  	[tilespmem:$0x4200] =	vst v19  }
0xd7: {  	v17 =	vld.idx.msk [tilespmem:v9+s24+$0x0], $0xffff;
	[tilespmem:$0x4200] =	vst v15  }
0xd8: {  	v20 =	vld.idx.msk [tilespmem:v4+s24+$0x0], $0xffff;
	_ =	sdelay $0x4  }
0xd9: {  	v20 =	vsel vm3, $0x0, v20  }
0xda: {  	v15 =	vadd.f32 v20, v15;
	_ =	sdelay $0x1  }
0xdb: {  	[tilespmem:$0x4200] =	vst v15  }
0xdc: {  	v20 =	vld.idx.msk [tilespmem:v6+s24+$0x0], $0xffff;
	_ =	sdelay $0x4  }
0xdd: {  	v20 =	vsel vm0, $0x0, v20  }
0xde: {  	v15 =	vadd.f32 v20, v15;
	_ =	sdelay $0x1  }
0xdf: {  	[tilespmem:$0x4200] =	vst v15  }
0xe0: {  	v20 =	vld.idx.msk [tilespmem:v7+s24+$0x0], $0xffff;
	_ =	sdelay $0x4  }
0xe1: {  	v20 =	vsel vm1, $0x0, v20  }
0xe2: {  	v15 =	vadd.f32 v20, v15;
	_ =	sdelay $0x1  }
0xe3: {  	[tilespmem:$0x4200] =	vst v15  }
0xe4: {  	v20 =	vld.idx.msk [tilespmem:v8+s24+$0x0], $0xffff;
	_ =	sdelay $0x4  }
0xe5: {  	v20 =	vsel vm2, $0x0, v20  }
0xe6: {  	v15 =	vadd.f32 v20, v15;
	_ =	sdelay $0x1  }
0xe7: {  	v15 =	vadd.f32 v15, v17;
	_ =	sdelay $0x1  }
0xe8: {  	[tilespmem:$0x4200] =	vst v15  }
0xe9: {  	v17 =	vld.idx.msk [tilespmem:v9+s24+$0x0], $0xffff;
	_ =	sdelay $0x2  }
0xea: {  	v14 =	vsub.f32 $1.000000000e+00, v14;
	_ =	sdelay $0x1  }
0xeb: {  	v14 =	vmul.f32 v17, v14;
	_ =	sdelay $0x1  }
0xec: {  	vm3 =	vlt.f32 v16, v14;
	vm4 =	vlt.f32 v18, v14  }
0xed: {  	v16 =	vsel vm3, $0x1, v10;
	v17 =	vsel vm4, $0x1, v10;
	vm3 =	vlt.f32 v19, v14  }
0xee: {  	v16 =	vadd.s32 v17, v16;
	v17 =	vsel vm3, $0x1, v10;
	vm3 =	vlt.f32 v15, v14  }
0xef: {  	v14 =	vadd.s32 v17, v16;
	v15 =	vsel vm3, $0x1, v10  }
0xf0: {  	v14 =	vadd.s32 v15, v14  }
0xf1: {  	[tilespmem:$0x4280] =	vst v14  }
0xf2: {  	v15 =	vld.idx.msk [tilespmem:v0+s25+$0x0], $0xffff;
	_ =	sdelay $0x4  }
0xf3: {  	v14 =	vadd.s32 v15, v14  }
0xf4: {  	[tilespmem:$0x4280] =	vst v14  }
0xf5: {  	v15 =	vld.idx.msk [tilespmem:v1+s25+$0x0], $0xffff;
	_ =	sdelay $0x4  }
0xf6: {  	v14 =	vadd.s32 v15, v14  }
0xf7: {  	[tilespmem:$0x4280] =	vst v14  }
0xf8: {  	v15 =	vld.idx.msk [tilespmem:v2+s25+$0x0], $0xffff;
	_ =	sdelay $0x4  }
0xf9: {  	v14 =	vadd.s32 v15, v14  }
0xfa: {  	v16 =	vld [tilespmem:$0x4080];
	[tilespmem:$0x4280] =	vst v14  }
0xfb: {  	v15 =	vld.idx.msk [tilespmem:v3+s25+$0x0], $0xffff;
	_ =	sdelay $0x1  }
0xfc: {  	v17 =	vld [tilespmem:$0x4090];
	_ =	sdelay $0x1  }
0xfd: {  	v18 =	vld [tilespmem:$0x40A0]  }
0xfe: {  	v14 =	vadd.s32 v15, v14;
	v15 =	vadd.f32 $0.0e+00, v16  }
0xff: {  	v16 =	vld [tilespmem:$0x40B0];
	vm3 =	veq.s32 v14, v5;
	vm4 =	veq.s32 v14, v11  }
0x100: {  	v15 =	vnsel vm3, $0x0, v15;
	v17 =	vnsel vm4, $0x0, v17  }
0x101: {  	vm3 =	veq.s32 v14, v12;
	v15 =	vadd.f32 v17, v15  }
0x102: {  	v17 =	vnsel vm3, $0x0, v18  }
0x103: {  	vm3 =	veq.s32 v14, v13;
	v15 =	vadd.f32 v15, v17  }
0x104: {  	v16 =	vnsel vm3, $0x0, v16  }
0x105: {  	v15 =	vadd.f32 v15, v16;
	_ =	sdelay $0x1  }
0x106: {  	[tilespmem:$0x4200] =	vst v15  }
0x107: {  	v16 =	vld.idx.msk [tilespmem:v0+s24+$0x0], $0xffff;
	_ =	sdelay $0x4  }
0x108: {  	v15 =	vadd.f32 v15, v16;
	_ =	sdelay $0x1  }
0x109: {  	[tilespmem:$0x4200] =	vst v15  }
0x10a: {  	v16 =	vld.idx.msk [tilespmem:v1+s24+$0x0], $0xffff;
	_ =	sdelay $0x4  }
0x10b: {  	v15 =	vadd.f32 v16, v15;
	_ =	sdelay $0x1  }
0x10c: {  	[tilespmem:$0x4200] =	vst v15  }
0x10d: {  	v16 =	vld.idx.msk [tilespmem:v2+s24+$0x0], $0xffff;
	_ =	sdelay $0x4  }
0x10e: {  	v15 =	vadd.f32 v16, v15;
	_ =	sdelay $0x1  }
0x10f: {  	s0 =	simm.s32 $0xC0;
	[tilespmem:$0x4200] =	vst v15  }
0x110: {  	v16 =	vld [tilespmem:s0+$0xFFFFFFC0]  }
0x111: {  	s1 =	simm.s32 $0x20C0;
	v18 =	vld [tilespmem:s0+$0x30]  }
0x112: {  	v20 =	vld [tilespmem:s1+$0x30]  }
0x113: {  	v22 =	vld [tilespmem:s1+$0x20]  }
0x114: {  	v23 =	vld [tilespmem:s0+$0x20]  }
0x115: {  	v24 =	vld [tilespmem:s1+$0x10]  }
0x116: {  	v25 =	vld [tilespmem:s0+$0x10]  }
0x117: {  	v26 =	vld [tilespmem:s1+$0x0]  }
0x118: {  	v27 =	vimm.f32 $0.0e+00;
	s6 =	simm.s32 $0x10;
	s7 =	simm.s32 $0x50;
	v28 =	vld [tilespmem:s0+$0x0]  }
0x119: {  	s2 =	simm.s32 $0x0;
	v29 =	vimm.f32 $-Inf;
	v32 =	vor.u32 s7, v5;
	v21 =	vor.u32 s6, v5;
	v30 =	vld [tilespmem:s1+$0xFFFFFFF0]  }
0x11a: {  	s4 =	simm.s32 $0x40;
	v21 =	vcvt.s32.f32 v21;
	v19 =	vimm.s32 $0x0;
	v17 =	vor.u32 s2, v5;
	v33 =	vld [tilespmem:s1+$0xFFFFFFE0]  }
0x11b: {  	s6 =	simm.s32 $0x30;
	v31 =	vcvt.s32.f32 v17;
	v17 =	vor.u32 s4, v5;
	vm6 =	vgt.f32 v16, $0.0e+00;
	v16 =	vld [tilespmem:s0+$0xFFFFFFF0]  }
0x11c: {  	vm3 =	vgt.f32 v18, $0.0e+00;
	vm4 =	veq.s32 v20, v14;
	v18 =	vld [tilespmem:s0+$0xFFFFFFE0];
	v20 =	vor.u32 s6, v5  }
0x11d: {  	vm9 =	veq.s32 v26, v14;
	vm7 =	vgt.f32 v23, $0.0e+00;
	v23 =	vld [tilespmem:s1+$0xFFFFFFD0];
	vm8 =	veq.s32 v22, v14  }
0x11e: {  	s3 =	simm.s32 $0x70;
	vm10 =	vgt.f32 v28, $0.0e+00;
	vm5 =	vmand vm3, vm4;
	vm3 =	veq.s32 v24, v14;
	v24 =	vld [tilespmem:s1+$0xFFFFFFC0]  }
0x11f: {  	v22 =	vcvt.s32.f32 v32;
	v28 =	vor.u32 s3, v5;
	vm4 =	vgt.f32 v25, $0.0e+00;
	v25 =	vld [tilespmem:s0+$0xFFFFFFD0]  }
0x120: {  	s4 =	simm.s32 $0x30C0;
	vm12 =	veq.s32 v33, v14;
	v20 =	vcvt.s32.f32 v20;
	vm8 =	vmand vm7, vm8  }
0x121: {  	v63 =	vld [tilespmem:s4+$0xFFFFFFC0];
	vm4 =	vmand vm4, vm3;
	vm3 =	vmand vm10, vm9;
	vm10 =	veq.s32 v30, v14  }
0x122: {  	v26 =	vld [tilespmem:s4+$0xFFFFFFD0];
	s6 =	simm.s32 $0x20;
	vm9 =	vgt.f32 v18, $0.0e+00;
	v18 =	vcvt.s32.f32 v28;
	vm13 =	vgt.f32 v16, $0.0e+00  }
0x123: {  	s7 =	simm.s32 $0x60;
	v16 =	vld [tilespmem:s4+$0xFFFFFFF0];
	vm14 =	veq.s32 v23, v14;
	v28 =	vor.u32 s6, v5;
	vm11 =	veq.s32 v24, v14  }
0x124: {  	v23 =	vor.u32 s7, v5;
	v24 =	vld [tilespmem:s4+$0xFFFFFFE0];
	vm11 =	vmand vm6, vm11;
	vm6 =	vgt.f32 v25, $0.0e+00  }
0x125: {  	v23 =	vcvt.s32.f32 v23;
	v30 =	vcvt.s32.f32 v28;
	vm14 =	vmand vm6, vm14  }
0x126: {  	v25 =	vld [tilespmem:s4+$0x0];
	vm6 =	vmand vm9, vm12;
	v28 =	vnsel vm11, $0xFF800000, v63;
	vm9 =	vmand vm13, vm10  }
0x127: {  	v34 =	vld [tilespmem:s4+$0x30];
	v35 =	vnsel vm14, $0xFF800000, v26;
	vm10 =	vgt.f32 v28, v29;
	v26 =	vsel vm9, $0x1, v10  }
0x128: {  	v32 =	vnsel vm9, $0xFF800000, v16;
	v36 =	vsel vm10, v28, v29;
	v28 =	vsel vm6, $0x1, v10  }
0x129: {  	v16 =	vld.idx.msk [tilespmem:v3+s24+$0x0], $0xffff;
	v33 =	vsel vm10, v31, v27;
	v37 =	vnsel vm6, $0xFF800000, v24;
	vm6 =	vgt.f32 v35, v36  }
0x12a: {  	s31 =	simm.s32 $0x0;
	s0 =	simm.s32 $0x140;
	v29 =	vsel vm14, $0x1, v10;
	v31 =	vsel vm11, $0x1, v10;
	v38 =	vsel vm6, v35, v36;
	v36 =	vld [tilespmem:s4+$0x20]  }
0x12b: {  	s1 =	simm.s32 $0x2140;
	s6 =	simm.s32 $0x3140;
	s7 =	simm.s32 $0xF0;
	v24 =	vld [tilespmem:s4+$0x10];
	v35 =	vnsel vm3, $0xFF800000, v25;
	v25 =	vsel vm8, $0x1, v10;
	vm7 =	vgt.f32 v37, v38  }
.LBB2_5:
0x12c: {  	s3 =	sadd.s32 $0xFFFFFF90, s7;
	v39 =	vld [tilespmem:s0+$0xFFFFFFC0];
	s4 =	sadd.s32 $0xFFFFFFA0, s7;
	s2 =	sadd.s32 $0xFFFFFFB0, s7;
	v37 =	vsel vm7, v37, v38;
	v34 =	vnsel vm5, $0xFF800000, v34;
	v38 =	vsel vm5, $0x1, v10  }
0x12d: {  	s31 =	sadd.s32 $0x8, s31;
	v21 =	vsel vm6, v21, v33;
	v40 =	vor.u32 s3, v5;
	v41 =	vor.u32 s4, v5;
	v27 =	vld [tilespmem:s6+$0x0]  }
0x12e: {  	p0 =	slt.u32 s31, $0xF8;
	v21 =	vsel vm7, v30, v21;
	vm5 =	vgt.f32 v32, v37;
	v33 =	vcvt.s32.f32 v40;
	v40 =	vld [tilespmem:s0+$0x30]  }
0x12f: {  	v17 =	vcvt.s32.f32 v17;
	v32 =	vsel vm5, v32, v37;
	v30 =	vld [tilespmem:s6+$0x10];
	v36 =	vnsel vm8, $0xFF800000, v36  }
0x130: {  	v20 =	vsel vm5, v20, v21;
	v21 =	vnsel vm4, $0xFF800000, v24;
	vm5 =	vgt.f32 v35, v32;
	v37 =	vld [tilespmem:s1+$0x30]  }
0x131: {  	v19 =	vadd.s32 v31, v19;
	v24 =	vsel vm5, v35, v32;
	vm6 =	vgt.f32 v39, $0.0e+00;
	v39 =	vld [tilespmem:s1+$0x20]  }
0x132: {  	s3 =	sadd.s32 $0xFFFFFFD0, s7;
	v19 =	vadd.s32 v29, v19;
	v20 =	vsel vm5, v17, v20;
	vm5 =	vgt.f32 v21, v24;
	v31 =	vld [tilespmem:s0+$0x20]  }
0x133: {  	v19 =	vadd.s32 v28, v19;
	v17 =	vor.u32 s3, v5;
	v21 =	vsel vm5, v21, v24;
	v29 =	vld [tilespmem:s1+$0x10]  }
0x134: {  	v19 =	vadd.s32 v26, v19;
	s3 =	sadd.s32 $0xFFFFFFC0, s7;
	v20 =	vsel vm5, v22, v20;
	vm5 =	vgt.f32 v36, v21;
	v28 =	vld [tilespmem:s0+$0x10];
	v24 =	vmovc v30  }
0x135: {  	v22 =	vor.u32 s3, v5;
	vm7 =	vgt.f32 v40, $0.0e+00;
	v30 =	vsel vm5, v36, v21;
	v26 =	vld [tilespmem:s1+$0x0]  }
0x136: {  	v35 =	vsel vm4, $0x1, v10;
	s3 =	sadd.s32 $0xFFFFFFE0, s7;
	v23 =	vsel vm5, v23, v20;
	vm8 =	veq.s32 v37, v14;
	v32 =	vld [tilespmem:s0+$0x0]  }
0x137: {  	v37 =	vor.u32 s3, v5;
	vm9 =	vgt.f32 v34, v30;
	vm5 =	vmand vm7, vm8;
	v36 =	vld [tilespmem:s1+$0xFFFFFFF0]  }
0x138: {  	v21 =	vcvt.s32.f32 v41;
	v41 =	vsel vm3, $0x1, v10;
	v42 =	vsel vm9, v34, v30;
	v40 =	vld [tilespmem:s0+$0xFFFFFFF0]  }
0x139: {  	v20 =	vcvt.s32.f32 v22;
	v19 =	vadd.s32 v41, v19;
	vm3 =	veq.s32 v29, v14;
	v30 =	vld [tilespmem:s0+$0xFFFFFFE0]  }
0x13a: {  	v19 =	vadd.s32 v35, v19;
	vm4 =	vgt.f32 v28, $0.0e+00;
	v29 =	vld [tilespmem:s1+$0xFFFFFFE0];
	vm10 =	veq.s32 v26, v14  }
0x13b: {  	vm8 =	veq.s32 v39, v14;
	vm7 =	vgt.f32 v31, $0.0e+00;
	v19 =	vadd.s32 v25, v19;
	v26 =	vld [tilespmem:s1+$0xFFFFFFC0]  }
0x13c: {  	v19 =	vadd.s32 v38, v19;
	vm4 =	vmand vm4, vm3;
	vm11 =	vgt.f32 v32, $0.0e+00;
	v25 =	vld [tilespmem:s1+$0xFFFFFFD0]  }
0x13d: {  	v31 =	vsel vm9, v18, v23;
	vm3 =	vmand vm11, vm10;
	v28 =	vld [tilespmem:s0+$0xFFFFFFD0]  }
0x13e: {  	v22 =	vcvt.s32.f32 v37;
	v18 =	vor.u32 s7, v5;
	v32 =	vld [tilespmem:s6+$0xFFFFFFD0]  }
0x13f: {  	v18 =	vcvt.s32.f32 v18;
	vm10 =	veq.s32 v36, v14;
	vm9 =	vgt.f32 v30, $0.0e+00;
	v34 =	vld [tilespmem:s6+$0xFFFFFFC0]  }
0x140: {  	s3 =	sadd.s32 $0xFFFFFFF0, s7;
	vm13 =	vgt.f32 v40, $0.0e+00;
	vm12 =	veq.s32 v29, v14;
	vm11 =	veq.s32 v26, v14;
	v26 =	vld [tilespmem:s6+$0xFFFFFFF0]  }
0x141: {  	v23 =	vor.u32 s3, v5;
	v29 =	vor.u32 s2, v5;
	vm14 =	veq.s32 v25, v14;
	v25 =	vld [tilespmem:s6+$0xFFFFFFE0]  }
0x142: {  	v23 =	vcvt.s32.f32 v23;
	vm11 =	vmand vm6, vm11;
	vm6 =	vgt.f32 v28, $0.0e+00  }
0x143: {  	v30 =	vcvt.s32.f32 v29;
	vm14 =	vmand vm6, vm14;
	vm6 =	vmand vm9, vm12  }
0x144: {  	vm9 =	vmand vm13, vm10;
	v28 =	vnsel vm11, $0xFF800000, v34;
	v35 =	vnsel vm14, $0xFF800000, v32  }
.Ltmp2:
0x145: {  	vm10 =	vgt.f32 v28, v42;
	v32 =	vnsel vm9, $0xFF800000, v26;
	v26 =	vsel vm9, $0x1, v10;
	v34 =	vld [tilespmem:s6+$0x30];
	(pc) =	sbr.rel @p0 .LBB2_5-.Ltmp2, $4  }
0x146: {  	v36 =	vsel vm10, v28, v42;
	v37 =	vnsel vm6, $0xFF800000, v25;
	v28 =	vsel vm6, $0x1, v10  }
0x147: {  	v29 =	vsel vm14, $0x1, v10;
	v33 =	vsel vm10, v33, v31;
	vm6 =	vgt.f32 v35, v36  }
0x148: {  	vm8 =	vmand vm7, vm8;
	v31 =	vsel vm11, $0x1, v10;
	v38 =	vsel vm6, v35, v36;
	v36 =	vld [tilespmem:s6+$0x20];
	s6 =	sadd.s32 $0x80, s6  }
0x149: {  	s7 =	sadd.s32 $0x80, s7;
	s1 =	sadd.s32 $0x80, s1;
	s0 =	sadd.s32 $0x80, s0;
	v25 =	vsel vm8, $0x1, v10;
	v35 =	vnsel vm3, $0xFF800000, v27;
	vm7 =	vgt.f32 v37, v38  }
0x14a: {  	v27 =	vsel vm7, v37, v38  }
0x14b: {  	vm9 =	vgt.f32 v32, v27  }
0x14c: {  	v27 =	vsel vm9, v32, v27  }
0x14d: {  	vm10 =	vgt.f32 v35, v27  }
0x14e: {  	v24 =	vnsel vm4, $0xFF800000, v24;
	v27 =	vsel vm10, v35, v27  }
0x14f: {  	vm11 =	vgt.f32 v24, v27  }
0x150: {  	v43 =	vnsel vm8, $0xFF800000, v36;
	v24 =	vsel vm11, v24, v27  }
0x151: {  	vm8 =	vgt.f32 v43, v24  }
0x152: {  	v44 =	vnsel vm5, $0xFF800000, v34;
	v24 =	vsel vm8, v43, v24  }
0x153: {  	vm12 =	vgt.f32 v44, v24  }
0x154: {  	v24 =	vsel vm12, v44, v24  }
0x155: {  	[tilespmem:$0x4200] =	vst v24  }
0x156: {  	v45 =	vld.idx.msk [tilespmem:v0+s24+$0x0], $0xffff;
	_ =	sdelay $0x4  }
0x157: {  	v27 =	vmax.f32 v24, v45  }
0x158: {  	[tilespmem:$0x4200] =	vst v27  }
0x159: {  	v46 =	vld.idx.msk [tilespmem:v1+s24+$0x0], $0xffff;
	_ =	sdelay $0x4  }
0x15a: {  	v27 =	vmax.f32 v27, v46  }
0x15b: {  	[tilespmem:$0x4200] =	vst v27  }
0x15c: {  	v47 =	vld.idx.msk [tilespmem:v2+s24+$0x0], $0xffff;
	_ =	sdelay $0x4  }
0x15d: {  	v27 =	vmax.f32 v27, v47  }
0x15e: {  	[tilespmem:$0x4200] =	vst v27  }
0x15f: {  	v21 =	vsel vm6, v21, v33;
	v48 =	vld.idx.msk [tilespmem:v3+s24+$0x0], $0xffff  }
0x160: {  	v17 =	vcvt.s32.f32 v17;
	v21 =	vsel vm7, v30, v21  }
0x161: {  	v20 =	vsel vm9, v20, v21  }
0x162: {  	v17 =	vsel vm10, v17, v20  }
0x163: {  	v17 =	vsel vm11, v22, v17  }
0x164: {  	v17 =	vsel vm8, v23, v17;
	v49 =	vmax.f32 v27, v48  }
0x165: {  	v17 =	vsel vm12, v18, v17;
	vm15 =	veq.f32 v24, v49  }
0x166: {  	v17 =	vnsel vm15, $0x45800000, v17  }
0x167: {  	[tilespmem:$0x4200] =	vst v17  }
0x168: {  	v50 =	vld.idx.msk [tilespmem:v0+s24+$0x0], $0xffff;
	_ =	sdelay $0x4  }
0x169: {  	v17 =	vmin.f32 v17, v50  }
0x16a: {  	[tilespmem:$0x4200] =	vst v17  }
0x16b: {  	v51 =	vld.idx.msk [tilespmem:v1+s24+$0x0], $0xffff;
	_ =	sdelay $0x4  }
0x16c: {  	v17 =	vmin.f32 v17, v51  }
0x16d: {  	v52 =	vadd.s32 v31, v19;
	[tilespmem:$0x4200] =	vst v17  }
0x16e: {  	v18 =	vadd.s32 v29, v52;
	v53 =	vld.idx.msk [tilespmem:v2+s24+$0x0], $0xffff  }
0x16f: {  	v18 =	vadd.s32 v28, v18  }
0x170: {  	v54 =	vsel vm3, $0x1, v10;
	v18 =	vadd.s32 v26, v18  }
0x171: {  	v55 =	vsel vm4, $0x1, v10;
	v18 =	vadd.s32 v54, v18  }
0x172: {  	v18 =	vadd.s32 v55, v18  }
0x173: {  	v56 =	vsel vm5, $0x1, v10;
	v18 =	vadd.s32 v25, v18;
	v17 =	vmin.f32 v17, v53  }
0x174: {  	v18 =	vadd.s32 v56, v18;
	[tilespmem:$0x4200] =	vst v17  }
0x175: {  	v57 =	vld.idx.msk [tilespmem:v3+s24+$0x0], $0xffff;
	[tilespmem:$0x4280] =	vst v18  }
0x176: {  	v58 =	vld.idx.msk [tilespmem:v0+s25+$0x0], $0xffff;
	_ =	sdelay $0x4  }
0x177: {  	v18 =	vadd.s32 v18, v58  }
0x178: {  	[tilespmem:$0x4280] =	vst v18  }
0x179: {  	v59 =	vld.idx.msk [tilespmem:v1+s25+$0x0], $0xffff;
	_ =	sdelay $0x4  }
0x17a: {  	v18 =	vadd.s32 v18, v59  }
0x17b: {  	[tilespmem:$0x4280] =	vst v18  }
0x17c: {  	v60 =	vld.idx.msk [tilespmem:v2+s25+$0x0], $0xffff;
	_ =	sdelay $0x4  }
0x17d: {  	v18 =	vadd.s32 v18, v60  }
0x17e: {  	[tilespmem:$0x4280] =	vst v18  }
0x17f: {  	v61 =	vld.idx.msk [tilespmem:v3+s25+$0x0], $0xffff;
	_ =	sdelay $0x1  }
0x180: {  	v62 =	vld [tilespmem:$0x4100]  }
0x181: {  	v17 =	vmin.f32 v17, v57  }
0x182: {  	v17 =	vtrunc.f32 v17  }
0x183: {  	v15 =	vadd.f32 v16, v15;
	v17 =	vcvt.f32.s32 v17;
	v18 =	vadd.s32 v18, v61  }
0x184: {  	[tilespmem:$0x4300] =	vst v14;
	vm3 =	vgt.s32 v18, $0x0  }
0x185: {  	[tilespmem:$0x4400] =	vst v15;
	v63 =	vsel vm3, v17, v62  }
0x186: {  	[tilespmem:$0x4380] =	vst v63  }
0x187: {  	[hbm4b:s13+s10] =	stream.linear.scatter [tilespmem:s26], [sflag:$0x1], $0x80, $0x38;
	[tilespmem:$0x4480] =	vst v63  }
0x188: {  	_ =	swait.ge [sflag:s15], $0x80  }
0x189: {  	[sflag:s15] =	ssyncset.done $0x0  }
0x18a: {  	[sflag:s15] =	ssyncadd.s32 $0xFFFFFF80  }
0x18b: {  	[hbm4b:s8+s10] =	stream.linear.scatter [tilespmem:s28], [sflag:$0x1], $0x80, $0x38;
	[tilespmem:$0x4480] =	vst v63  }
0x18c: {  	s30 =	sadd.s32 $0x1, s30;
	_ =	swait.ge [sflag:s15], $0x80  }
0x18d: {  	p0 =	sne.s32 s30, s14;
	[sflag:s15] =	ssyncset.done $0x0  }
.Ltmp3:
0x18e: {  	[sflag:s15] =	ssyncadd.s32 $0xFFFFFF80;
	(pc) =	sbr.rel @p0 .LBB2_2-.Ltmp3, $4  }
0x18f: {  	[hbm4b:s9+s10] =	stream.linear.scatter [tilespmem:s29], [sflag:$0x1], $0x80, $0x38;
	[tilespmem:$0x4480] =	vst v63  }
0x190: {  	_ =	swait.ge [sflag:s15], $0x80  }
0x191: {  	[sflag:s15] =	ssyncset.done $0x0  }
0x192: {  	[sflag:s15] =	ssyncadd.s32 $0xFFFFFF80  }
.LBB2_7:
0x193: {  	_ =	sfence.sel $0x180000  }
0x194: {  	[bflag:$0x0] =	sbarrier.arrive $0xFFFF  }
0x195: {  	_ =	strace $0x90000047  }
0x196: {  	s0 =	stileid.u32;
	[bflag:$0x2] =	sbarrier.arrive $0xFFFF  }
0x197: {  	p0 =	sne.s32 s0, $0x0;
	s0 =	rddreg [dreg:$0x9]  }
0x198: {  	s0 =	sadd.s32 @!p0 $0x100000, s0  }
0x199: {  	[sflag:s0] =	ssyncadd.tile.s32 @!p0 $0x1;
	_ =	shalt  }
.Lfunc_end2:
_tile_overlayer_lowered:
.L_overlay_start_2:
0x19a: {  	(tag) =	ssettag $0x2  }
0x19b: {  	s0 =	rddreg [dreg:$0x0];
	s2 =	stileid.u32  }
0x19c: {  	s1 =	rddreg [dreg:$0x1];
	p0 =	sne.s32 s2, $0x0  }
0x19d: {  	s3 =	rddreg [dreg:$0x2];
	[bflag:$0x3] =	sbarrier.arrive $0xFFFF;
	s2 =	simm.s32 @!p0 $0x1C01  }
0x19e: {  	[timem:s3], [sflag:s2] =	dma.local @!p0 [hbm:s0], s1  }
0x19f: {  	s0 =	simm.s32 @!p0 $0x1  }
0x1a0: {  	_ =	swait.ge @!p0 [sflag:s0], s1  }
0x1a1: {  	s1 =	ssub.s32 @!p0 $0x0, s1;
	[sflag:s0] =	ssyncset.done @!p0 $0x0  }
0x1a2: {  	[sflag:s0] =	ssyncadd.s32 @!p0 s1  }
0x1a3: {  	[bflag:$0x3] =	sbarrier.arrive $0xFFFF  }
0x1a4: {  	_ =	shalt  }

</sc_bundles>
